<compile_context>
chip_gen: v7x
topology: tpu7x:2x2x1
jax: 0.10.2.dev20260603
libtpu: 0.0.44.dev20260713+nightly
codegen_flags: <defaults>
</compile_context>

<pallas_src>
import functools

import jax
import jax.numpy as jnp
from jax import lax
from jax.experimental import pallas as pl
from jax.experimental.pallas import tpu as pltpu
from jax.experimental.pallas import tpu_sc as plsc

N = 10000
E = 160000
IN_CH = 7
EMBED = 128
EDGE_DIM = 6

NC = 2
NS = 16
NW = NC * NS
K = 128
CH = 40
KS = 64
CH2 = 80
EPW = CH * K
EP = NW * EPW
NA = 10240
RPT = NA // NS
XPT = N // NS
NBUF = 4

_MESH = dict(core_axis_name="c", subcore_axis_name="s", num_cores=NC,
             num_subcores=NS)
_SC_PARAMS = pltpu.CompilerParams(use_tc_tiling_on_sc=False)



def _gather_body(xpad_hbm, srcp_hbm, dstp_hbm, xj_hbm, cnt_hbm,
                 idx_v, didx_v, rows_v, ones_v, zc_v, xs_s, cnt_s, sem):
    c = lax.axis_index("c")
    s = lax.axis_index("s")
    wid = s * NC + c

    pltpu.sync_copy(xpad_hbm.at[pl.ds(s * XPT, XPT)],
                    xs_s.at[pl.ds(s * XPT, XPT)])
    pltpu.sync_copy(srcp_hbm.at[wid], idx_v)
    pltpu.sync_copy(dstp_hbm.at[wid], didx_v)

    zf = jnp.zeros((16,), jnp.float32)
    of = jnp.ones((16,), jnp.float32)

    def fill(r, carry):
        ones_v[r, :] = of
        zc_v[r, :] = zf
        return carry

    lax.fori_loop(0, K, fill, 0)
    for t in range(RPT // K):
        pltpu.sync_copy(zc_v, cnt_s.at[pl.ds(s * RPT + t * K, K)])
    plsc.subcore_barrier()

    def fire(j, carry):
        pltpu.async_copy(xs_s.at[idx_v.at[j]],
                         rows_v.at[pl.ds(j * K, K)], sem)
        return carry

    lax.fori_loop(0, CH, fire, 0)

    def ones_scatter(j, carry):
        pltpu.sync_copy(ones_v, cnt_s.at[didx_v.at[j]], add=True)
        return carry

    lax.fori_loop(0, CH, ones_scatter, 0)

    pltpu.make_async_copy(xj_hbm.at[pl.ds(wid * EPW, EPW)], rows_v,
                          sem).wait()
    pltpu.sync_copy(rows_v, xj_hbm.at[pl.ds(wid * EPW, EPW)])
    plsc.subcore_barrier()
    pltpu.sync_copy(cnt_s.at[pl.ds(s * XPT, XPT)],
                    cnt_hbm.at[c, pl.ds(s * XPT, XPT)])


def _sc_gather(xpad, srcp, dstp):
    fn = functools.partial(
        pl.kernel,
        out_type=(jax.ShapeDtypeStruct((EP, 16), jnp.float32),
                  jax.ShapeDtypeStruct((NC, N, 16), jnp.float32)),
        mesh=plsc.VectorSubcoreMesh(**_MESH),
        scratch_types=[
            pltpu.VMEM((CH, K), jnp.int32),
            pltpu.VMEM((CH, K), jnp.int32),
            pltpu.VMEM((EPW, 16), jnp.float32),
            pltpu.VMEM((K, 16), jnp.float32),
            pltpu.VMEM((K, 16), jnp.float32),
            pltpu.VMEM_SHARED((N, 16), jnp.float32),
            pltpu.VMEM_SHARED((NA, 16), jnp.float32),
            pltpu.SemaphoreType.DMA,
        ],
        compiler_params=_SC_PARAMS,
    )(_gather_body)
    return fn(xpad, srcp, dstp)



def _scatter_body(msg_hbm, dstp_hbm, acc_hbm,
                  idx_v, st0, st1, st2, st3, acc_s, sm0, sm1, sm2, sm3):
    c = lax.axis_index("c")
    s = lax.axis_index("s")
    wid = s * NC + c
    base = wid * EPW
    stages = (st0, st1, st2, st3)
    sems = (sm0, sm1, sm2, sm3)

    zf = jnp.zeros((16,), jnp.float32)

    def zstage(r, carry):
        for cc in range(8):
            st0[r, pl.ds(cc * 16, 16)] = zf
        return carry

    lax.fori_loop(0, KS, zstage, 0)
    for t in range(RPT // KS):
        pltpu.sync_copy(st0, acc_s.at[pl.ds(s * RPT + t * KS, KS)])
    plsc.subcore_barrier()

    pltpu.sync_copy(dstp_hbm.at[wid], idx_v)

    for b in range(NBUF):
        pltpu.async_copy(msg_hbm.at[pl.ds(base + b * KS, KS)], stages[b],
                         sems[b])

    def outer(o, carry):
        for b in range(NBUF):
            j = o * NBUF + b
            pltpu.make_async_copy(msg_hbm.at[pl.ds(base + j * KS, KS)],
                                  stages[b], sems[b]).wait()
            pltpu.sync_copy(stages[b], acc_s.at[idx_v.at[j]], add=True)

            @pl.when(o < CH2 // NBUF - 1)
            def _fire(b=b, j=j):
                pltpu.async_copy(msg_hbm.at[pl.ds(base + (j + NBUF) * KS, KS)],
                                 stages[b], sems[b])

        return carry

    lax.fori_loop(0, CH2 // NBUF, outer, 0)
    plsc.subcore_barrier()

    pltpu.sync_copy(acc_s.at[pl.ds(s * XPT, XPT)],
                    acc_hbm.at[c, pl.ds(s * XPT, XPT)])


def _sc_scatter(msg, dstp_s):
    fn = functools.partial(
        pl.kernel,
        out_type=jax.ShapeDtypeStruct((NC, N, EMBED), jnp.float32),
        mesh=plsc.VectorSubcoreMesh(**_MESH),
        scratch_types=[
            pltpu.VMEM((CH2, KS), jnp.int32),
            pltpu.VMEM((KS, EMBED), jnp.float32),
            pltpu.VMEM((KS, EMBED), jnp.float32),
            pltpu.VMEM((KS, EMBED), jnp.float32),
            pltpu.VMEM((KS, EMBED), jnp.float32),
            pltpu.VMEM_SHARED((NA, EMBED), jnp.float32),
            pltpu.SemaphoreType.DMA,
            pltpu.SemaphoreType.DMA,
            pltpu.SemaphoreType.DMA,
            pltpu.SemaphoreType.DMA,
        ],
        compiler_params=_SC_PARAMS,
    )(_scatter_body)
    return fn(msg, dstp_s)



_TE = 3200


def _msg_kernel(ea_ref, xj_ref, w1_ref, b1_ref, w2_ref, b2_ref, out_ref):
    ea = ea_ref[...]
    hT = lax.dot_general(w1_ref[...], ea, (((0,), (0,)), ((), ())),
                         preferred_element_type=jnp.float32)
    ri = lax.broadcasted_iota(jnp.int32, (EMBED, EMBED), 0)
    ci = lax.broadcasted_iota(jnp.int32, (EMBED, EMBED), 1)
    eye = (ri == ci).astype(jnp.float32)
    h = lax.dot_general(hT, eye, (((0,), (0,)), ((), ())),
                        preferred_element_type=jnp.float32)
    h = h + b1_ref[...]
    h = 0.5 * h * (1.0 + lax.erf(h * 0.7071067811865476))
    h16 = h.astype(jnp.bfloat16)
    xj = xj_ref[...]
    xj16 = xj.astype(jnp.bfloat16)
    t = jnp.concatenate([xj16[:, i:i + 1] * h16 for i in range(IN_CH)],
                        axis=1)
    out_ref[...] = (
        jnp.dot(t, w2_ref[...], preferred_element_type=jnp.float32)
        + jnp.dot(xj, b2_ref[...], preferred_element_type=jnp.float32))


def _tc_message(eaT, xj, W1, b1r, W2cat, b2p16):
    return pl.pallas_call(
        _msg_kernel,
        grid=(E // _TE,),
        in_specs=[
            pl.BlockSpec((EDGE_DIM, _TE), lambda i: (0, i)),
            pl.BlockSpec((_TE, 16), lambda i: (i, 0)),
            pl.BlockSpec((EDGE_DIM, EMBED), lambda i: (0, 0)),
            pl.BlockSpec((1, EMBED), lambda i: (0, 0)),
            pl.BlockSpec((IN_CH * EMBED, EMBED), lambda i: (0, 0)),
            pl.BlockSpec((16, EMBED), lambda i: (0, 0)),
        ],
        out_specs=pl.BlockSpec((_TE, EMBED), lambda i: (i, 0)),
        out_shape=jax.ShapeDtypeStruct((EP, EMBED), jnp.float32),
    )(eaT, xj, W1, b1r, W2cat, b2p16)



def _final_kernel(acc_ref, cnt_ref, x_ref, root_ref, bias_ref, out_ref):
    summed = acc_ref[0] + acc_ref[1]
    cvec = cnt_ref[0, :, 0:1] + cnt_ref[1, :, 0:1]
    cvec = jnp.maximum(cvec, 1.0)
    xr = jnp.dot(x_ref[...], root_ref[...], preferred_element_type=jnp.float32)
    out_ref[...] = summed / cvec + xr + bias_ref[...]


def _tc_final(accs, cnts, xpad, rootp, biasr):
    TN = 2000
    return pl.pallas_call(
        _final_kernel,
        grid=(N // TN,),
        in_specs=[
            pl.BlockSpec((NC, TN, EMBED), lambda i: (0, i, 0)),
            pl.BlockSpec((NC, TN, 16), lambda i: (0, i, 0)),
            pl.BlockSpec((TN, 16), lambda i: (i, 0)),
            pl.BlockSpec((16, EMBED), lambda i: (0, 0)),
            pl.BlockSpec((1, EMBED), lambda i: (0, 0)),
        ],
        out_specs=pl.BlockSpec((TN, EMBED), lambda i: (i, 0)),
        out_shape=jax.ShapeDtypeStruct((N, EMBED), jnp.float32),
    )(accs, cnts, xpad, rootp, biasr)



def kernel(x, edge_index, edge_attr, W1, b1, W2, b2, root, bias):
    src = edge_index[0].astype(jnp.int32)
    dst = edge_index[1].astype(jnp.int32)
    pad = EP - E
    srcp = jnp.concatenate([src, jnp.zeros((pad,), jnp.int32)]).reshape(NW, CH, K)
    dstp_full = jnp.concatenate([dst, jnp.full((pad,), N, jnp.int32)])
    dstp = dstp_full.reshape(NW, CH, K)
    dstp_s = dstp_full.reshape(NW, CH2, KS)
    eaT = edge_attr.T
    xpad = jnp.pad(x, ((0, 0), (0, 16 - IN_CH)))
    b1r = b1.reshape(1, EMBED)
    W2cat = (W2.reshape(EMBED, IN_CH, EMBED).transpose(1, 0, 2)
             .reshape(IN_CH * EMBED, EMBED).astype(jnp.bfloat16))
    b2p16 = jnp.pad(b2.reshape(IN_CH, EMBED), ((0, 16 - IN_CH), (0, 0)))
    rootp = jnp.pad(root, ((0, 16 - IN_CH), (0, 0)))
    biasr = bias.reshape(1, EMBED)

    xj, cnts = _sc_gather(xpad, srcp, dstp)
    msg = _tc_message(eaT, xj, W1, b1r, W2cat, b2p16)
    accs = _sc_scatter(msg, dstp_s)
    return _tc_final(accs, cnts, xpad, rootp, biasr)

# --- scband reference (transcript-rebuilt; emitter-appended) ---
"""Pipeline reference for scband-particle-embedding-81664508166587 (READ-ONLY COPY).

The authoritative reference and input builder live on the scoring server;
editing this copy changes nothing except your own understanding.
"""

import jax, jax.numpy as jnp
import numpy as np

N_NODES = 10000
N_EDGES = 160000
IN_CH = 7
EMBED = 128
EDGE_DIM = 6


def setup_inputs(seed: int = 0) -> dict:
    key = jax.random.key(seed)
    ks = jax.random.split(key, 10)
    x = jax.random.normal(ks[0], (N_NODES, IN_CH), dtype=jnp.float32)
    edge_index = jax.random.randint(ks[1], (2, N_EDGES), 0, N_NODES, dtype=jnp.int64)
    edge_attr = jax.random.normal(ks[2], (N_EDGES, EDGE_DIM), dtype=jnp.float32)
    # edge_mlp params: Linear(6,128) -> GELU -> Linear(128, 7*128)
    W1 = jax.random.normal(ks[3], (EDGE_DIM, EMBED), dtype=jnp.float32) * (1.0 / np.sqrt(EDGE_DIM))
    b1 = jnp.zeros((EMBED,), dtype=jnp.float32)
    W2 = jax.random.normal(ks[4], (EMBED, IN_CH * EMBED), dtype=jnp.float32) * (1.0 / np.sqrt(EMBED))
    b2 = jnp.zeros((IN_CH * EMBED,), dtype=jnp.float32)
    # NNConv root weight (Linear(in_channels, out_channels, bias=False)) + bias
    root = jax.random.normal(ks[5], (IN_CH, EMBED), dtype=jnp.float32) * (1.0 / np.sqrt(IN_CH))
    bias = jnp.zeros((EMBED,), dtype=jnp.float32)
    return {"x": x, "edge_index": edge_index, "edge_attr": edge_attr,
            "W1": W1, "b1": b1, "W2": W2, "b2": b2, "root": root, "bias": bias}


def reference(x, edge_index, edge_attr, W1, b1, W2, b2, root, bias):
    src = edge_index[0]
    dst = edge_index[1]
    # edge-conditioned weight generation (edge_mlp)
    h = edge_attr @ W1 + b1
    h = jax.nn.gelu(h, approximate=False)
    w = (h @ W2 + b2).reshape(-1, IN_CH, EMBED)  # [E, in, out]
    # message: x_j^T W_e  (gather source node features)
    x_j = jnp.take(x, src, axis=0)  # [E, in]
    msg = jnp.einsum('ei,eio->eo', x_j, w)  # [E, out]
    # mean aggregation over destination nodes (scatter-add + count)
    summed = jax.ops.segment_sum(msg, dst, num_segments=N_NODES)
    counts = jax.ops.segment_sum(jnp.ones((msg.shape[0],), dtype=msg.dtype), dst, num_segments=N_NODES)
    out = summed / jnp.clip(counts, 1.0, None)[:, None]
    # root weight + bias
    out = out + x @ root + bias
    return out

if __name__ == "__main__":
    import jax
    _d = setup_inputs()
    print(jax.jit(kernel)(*tuple(_d.values())))

</pallas_src>

<mosaic_0001>
#map = affine_map<(d0, d1) -> (0, 0)>
#map1 = affine_map<(d0, d1) -> (0, 0, 0)>
module attributes {stable_mosaic.version = 14 : i64} {
  func.func @_gather_body(%arg0: i32, %arg1: i32, %arg2: memref<10000x16xf32, #tpu.memory_space<hbm>>, %arg3: memref<32x40x128xi32, #tpu.memory_space<hbm>>, %arg4: memref<32x40x128xi32, #tpu.memory_space<hbm>>, %arg5: memref<163840x16xf32, #tpu.memory_space<hbm>>, %arg6: memref<2x10000x16xf32, #tpu.memory_space<hbm>>, %arg7: memref<40x128xi32, #tpu.memory_space<vmem>>, %arg8: memref<40x128xi32, #tpu.memory_space<vmem>>, %arg9: memref<5120x16xf32, #tpu.memory_space<vmem>>, %arg10: memref<128x16xf32, #tpu.memory_space<vmem>>, %arg11: memref<128x16xf32, #tpu.memory_space<vmem>>, %arg12: memref<10000x16xf32, #tpu.memory_space<vmem_shared>>, %arg13: memref<10240x16xf32, #tpu.memory_space<vmem_shared>>, %arg14: memref<!tpu.dma_semaphore, #tpu.memory_space<semaphore_mem>>) attributes {dimension_semantics = [#tpu.dimension_semantics<core_parallel>, #tpu.dimension_semantics<subcore_parallel>], iteration_bounds = array<i64: 2, 16>, scalar_prefetch = 0 : i64, scratch_operands = 8 : i64, tpu.core_type = #tpu.core_type<sc_vector_subcore>, window_params = [{transform_indices = #map}, {transform_indices = #map1}, {transform_indices = #map1}, {transform_indices = #map}, {transform_indices = #map1}]} {
    %mul3A = arith.constant 2 : i32
    %mul3A_0 = arith.muli %arg1, %mul3A : i32
    %add3A = arith.addi %mul3A_0, %arg0 : i32
    %mul3A_1 = arith.constant 625 : i32
    %mul3A_2 = arith.muli %arg1, %mul3A_1 : i32
    %mul3A_3 = arith.constant 625 : i32
    %mul3A_4 = arith.muli %arg1, %mul3A_3 : i32
    "tpu.region"() ({
      %run_scoped3A = tpu.sem_alloc : memref<!tpu.dma_semaphore, #tpu.memory_space<semaphore_mem>>
      %dma_start3A = arith.constant 0 : i32
      %dma_start3A_57 = tpu.memref_slice %arg12[%mul3A_4, %dma_start3A] : memref<10000x16xf32, #tpu.memory_space<vmem_shared>> -> memref<625x16xf32, #tpu.memory_space<vmem_shared>>
      %dma_start3A_58 = arith.constant 0 : i32
      %dma_start3A_59 = tpu.memref_slice %arg2[%mul3A_2, %dma_start3A_58] : memref<10000x16xf32, #tpu.memory_space<hbm>> -> memref<625x16xf32, #tpu.memory_space<hbm>>
      tpu.enqueue_dma source(%dma_start3A_59 : memref<625x16xf32, #tpu.memory_space<hbm>>) target(%dma_start3A_57 : memref<625x16xf32, #tpu.memory_space<vmem_shared>>) target_semaphore(%run_scoped3A : memref<!tpu.dma_semaphore, #tpu.memory_space<semaphore_mem>>)
      %dma_wait3A_60 = arith.constant 0 : i32
      %dma_wait3A_61 = tpu.memref_slice %arg12[%mul3A_4, %dma_wait3A_60] : memref<10000x16xf32, #tpu.memory_space<vmem_shared>> -> memref<625x16xf32, #tpu.memory_space<vmem_shared>>
      %dma_wait3A_62 = arith.constant 0 : i32
      %dma_wait3A_63 = tpu.memref_slice %arg2[%mul3A_2, %dma_wait3A_62] : memref<10000x16xf32, #tpu.memory_space<hbm>> -> memref<625x16xf32, #tpu.memory_space<hbm>>
      tpu.wait_dma2 semaphore(%run_scoped3A : memref<!tpu.dma_semaphore, #tpu.memory_space<semaphore_mem>>) src(%dma_wait3A_63 : memref<625x16xf32, #tpu.memory_space<hbm>>) dst(%dma_wait3A_61 : memref<625x16xf32, #tpu.memory_space<vmem_shared>>)
      tpu.yield
    }) : () -> ()
    "tpu.region"() ({
      %run_scoped3A = tpu.sem_alloc : memref<!tpu.dma_semaphore, #tpu.memory_space<semaphore_mem>>
      %dma_start3A = arith.constant 0 : i32
      %dma_start3A_57 = arith.constant 0 : i32
      %dma_start3A_58 = tpu.memref_slice %arg3[%add3A, %dma_start3A, %dma_start3A_57] : memref<32x40x128xi32, #tpu.memory_space<hbm>> -> memref<1x40x128xi32, #tpu.memory_space<hbm>>
      %dma_start3A_59 = tpu.memref_squeeze %dma_start3A_58 : memref<1x40x128xi32, #tpu.memory_space<hbm>> -> memref<40x128xi32, #tpu.memory_space<hbm>>
      %dma_start3A_60 = arith.constant 0 : i32
      %dma_start3A_61 = arith.constant 0 : i32
      %dma_start3A_62 = tpu.memref_slice %arg3[%add3A, %dma_start3A_60, %dma_start3A_61] : memref<32x40x128xi32, #tpu.memory_space<hbm>> -> memref<1x40x128xi32, #tpu.memory_space<hbm>>
      %dma_start3A_63 = tpu.memref_squeeze %dma_start3A_62 : memref<1x40x128xi32, #tpu.memory_space<hbm>> -> memref<40x128xi32, #tpu.memory_space<hbm>>
      tpu.enqueue_dma source(%dma_start3A_63 : memref<40x128xi32, #tpu.memory_space<hbm>>) target(%arg7 : memref<40x128xi32, #tpu.memory_space<vmem>>) target_semaphore(%run_scoped3A : memref<!tpu.dma_semaphore, #tpu.memory_space<semaphore_mem>>)
      %dma_wait3A_64 = arith.constant 0 : i32
      %dma_wait3A_65 = arith.constant 0 : i32
      %dma_wait3A_66 = tpu.memref_slice %arg3[%add3A, %dma_wait3A_64, %dma_wait3A_65] : memref<32x40x128xi32, #tpu.memory_space<hbm>> -> memref<1x40x128xi32, #tpu.memory_space<hbm>>
      %dma_wait3A_67 = tpu.memref_squeeze %dma_wait3A_66 : memref<1x40x128xi32, #tpu.memory_space<hbm>> -> memref<40x128xi32, #tpu.memory_space<hbm>>
      %dma_wait3A_68 = arith.constant 0 : i32
      %dma_wait3A_69 = arith.constant 0 : i32
      %dma_wait3A_70 = tpu.memref_slice %arg3[%add3A, %dma_wait3A_68, %dma_wait3A_69] : memref<32x40x128xi32, #tpu.memory_space<hbm>> -> memref<1x40x128xi32, #tpu.memory_space<hbm>>
      %dma_wait3A_71 = tpu.memref_squeeze %dma_wait3A_70 : memref<1x40x128xi32, #tpu.memory_space<hbm>> -> memref<40x128xi32, #tpu.memory_space<hbm>>
      tpu.wait_dma2 semaphore(%run_scoped3A : memref<!tpu.dma_semaphore, #tpu.memory_space<semaphore_mem>>) src(%dma_wait3A_71 : memref<40x128xi32, #tpu.memory_space<hbm>>) dst(%arg7 : memref<40x128xi32, #tpu.memory_space<vmem>>)
      tpu.yield
    }) : () -> ()
    "tpu.region"() ({
      %run_scoped3A = tpu.sem_alloc : memref<!tpu.dma_semaphore, #tpu.memory_space<semaphore_mem>>
      %dma_start3A = arith.constant 0 : i32
      %dma_start3A_57 = arith.constant 0 : i32
      %dma_start3A_58 = tpu.memref_slice %arg4[%add3A, %dma_start3A, %dma_start3A_57] : memref<32x40x128xi32, #tpu.memory_space<hbm>> -> memref<1x40x128xi32, #tpu.memory_space<hbm>>
      %dma_start3A_59 = tpu.memref_squeeze %dma_start3A_58 : memref<1x40x128xi32, #tpu.memory_space<hbm>> -> memref<40x128xi32, #tpu.memory_space<hbm>>
      %dma_start3A_60 = arith.constant 0 : i32
      %dma_start3A_61 = arith.constant 0 : i32
      %dma_start3A_62 = tpu.memref_slice %arg4[%add3A, %dma_start3A_60, %dma_start3A_61] : memref<32x40x128xi32, #tpu.memory_space<hbm>> -> memref<1x40x128xi32, #tpu.memory_space<hbm>>
      %dma_start3A_63 = tpu.memref_squeeze %dma_start3A_62 : memref<1x40x128xi32, #tpu.memory_space<hbm>> -> memref<40x128xi32, #tpu.memory_space<hbm>>
      tpu.enqueue_dma source(%dma_start3A_63 : memref<40x128xi32, #tpu.memory_space<hbm>>) target(%arg8 : memref<40x128xi32, #tpu.memory_space<vmem>>) target_semaphore(%run_scoped3A : memref<!tpu.dma_semaphore, #tpu.memory_space<semaphore_mem>>)
      %dma_wait3A_64 = arith.constant 0 : i32
      %dma_wait3A_65 = arith.constant 0 : i32
      %dma_wait3A_66 = tpu.memref_slice %arg4[%add3A, %dma_wait3A_64, %dma_wait3A_65] : memref<32x40x128xi32, #tpu.memory_space<hbm>> -> memref<1x40x128xi32, #tpu.memory_space<hbm>>
      %dma_wait3A_67 = tpu.memref_squeeze %dma_wait3A_66 : memref<1x40x128xi32, #tpu.memory_space<hbm>> -> memref<40x128xi32, #tpu.memory_space<hbm>>
      %dma_wait3A_68 = arith.constant 0 : i32
      %dma_wait3A_69 = arith.constant 0 : i32
      %dma_wait3A_70 = tpu.memref_slice %arg4[%add3A, %dma_wait3A_68, %dma_wait3A_69] : memref<32x40x128xi32, #tpu.memory_space<hbm>> -> memref<1x40x128xi32, #tpu.memory_space<hbm>>
      %dma_wait3A_71 = tpu.memref_squeeze %dma_wait3A_70 : memref<1x40x128xi32, #tpu.memory_space<hbm>> -> memref<40x128xi32, #tpu.memory_space<hbm>>
      tpu.wait_dma2 semaphore(%run_scoped3A : memref<!tpu.dma_semaphore, #tpu.memory_space<semaphore_mem>>) src(%dma_wait3A_71 : memref<40x128xi32, #tpu.memory_space<hbm>>) dst(%arg8 : memref<40x128xi32, #tpu.memory_space<vmem>>)
      tpu.yield
    }) : () -> ()
    %broadcast_in_dim3A = arith.constant 0.000000e+00 : f32
    %broadcast_in_dim3A_5 = vector.broadcast %broadcast_in_dim3A : f32 to vector<16xf32>
    %broadcast_in_dim3A_6 = arith.constant 1.000000e+00 : f32
    %broadcast_in_dim3A_7 = vector.broadcast %broadcast_in_dim3A_6 : f32 to vector<16xf32>
    %scan3A = arith.constant 0 : i32
    %scan3A_8 = arith.constant 0 : i32
    %scan3A_9 = arith.constant 128 : i32
    %scan3A_10 = arith.addi %scan3A_8, %scan3A_9 : i32
    %scan3A_11 = arith.constant 1 : i32
    scf.for %scan3A_57 = %scan3A_8 to %scan3A_10 step %scan3A_11  : i32 {
      %swap3A = arith.index_cast %scan3A_57 : i32 to index
      %swap3A_58 = arith.constant 0 : index
      %swap3A_59 = tpu.vector_load %arg10[%swap3A, %swap3A_58] {strides = array<i32>} : memref<128x16xf32, #tpu.memory_space<vmem>>, vector<1x16xf32>,
      %swap3A_60 = vector.shape_cast %swap3A_59 : vector<1x16xf32> to vector<16xf32>
      %swap3A_61 = vector.shape_cast %broadcast_in_dim3A_7 : vector<16xf32> to vector<1x16xf32>
      tpu.vector_store %arg10[%swap3A, %swap3A_58], %swap3A_61 {strides = array<i32>} : memref<128x16xf32, #tpu.memory_space<vmem>>, vector<1x16xf32>,
      %swap3A_62 = arith.index_cast %scan3A_57 : i32 to index
      %swap3A_63 = arith.constant 0 : index
      %swap3A_64 = tpu.vector_load %arg11[%swap3A_62, %swap3A_63] {strides = array<i32>} : memref<128x16xf32, #tpu.memory_space<vmem>>, vector<1x16xf32>,
      %swap3A_65 = vector.shape_cast %swap3A_64 : vector<1x16xf32> to vector<16xf32>
      %swap3A_66 = vector.shape_cast %broadcast_in_dim3A_5 : vector<16xf32> to vector<1x16xf32>
      tpu.vector_store %arg11[%swap3A_62, %swap3A_63], %swap3A_66 {strides = array<i32>} : memref<128x16xf32, #tpu.memory_space<vmem>>, vector<1x16xf32>,
    }
    %scan3A_12 = arith.constant 128 : i32
    %mul3A_13 = arith.constant 640 : i32
    %mul3A_14 = arith.muli %arg1, %mul3A_13 : i32
    %add3A_15 = arith.constant 0 : i32
    %add3A_16 = arith.addi %mul3A_14, %add3A_15 : i32
    "tpu.region"() ({
      %run_scoped3A = tpu.sem_alloc : memref<!tpu.dma_semaphore, #tpu.memory_space<semaphore_mem>>
      %dma_start3A = arith.constant 0 : i32
      %dma_start3A_57 = tpu.memref_slice %arg13[%add3A_16, %dma_start3A] : memref<10240x16xf32, #tpu.memory_space<vmem_shared>> -> memref<128x16xf32, #tpu.memory_space<vmem_shared>>
      %dma_start3A_58 = arith.constant 0 : i32
      %dma_start3A_59 = tpu.memref_slice %arg13[%add3A_16, %dma_start3A_58] : memref<10240x16xf32, #tpu.memory_space<vmem_shared>> -> memref<128x16xf32, #tpu.memory_space<vmem_shared>>
      tpu.enqueue_dma source(%arg11 : memref<128x16xf32, #tpu.memory_space<vmem>>) target(%dma_start3A_59 : memref<128x16xf32, #tpu.memory_space<vmem_shared>>) target_semaphore(%run_scoped3A : memref<!tpu.dma_semaphore, #tpu.memory_space<semaphore_mem>>)
      %dma_wait3A_60 = arith.constant 0 : i32
      %dma_wait3A_61 = tpu.memref_slice %arg13[%add3A_16, %dma_wait3A_60] : memref<10240x16xf32, #tpu.memory_space<vmem_shared>> -> memref<128x16xf32, #tpu.memory_space<vmem_shared>>
      %dma_wait3A_62 = arith.constant 0 : i32
      %dma_wait3A_63 = tpu.memref_slice %arg13[%add3A_16, %dma_wait3A_62] : memref<10240x16xf32, #tpu.memory_space<vmem_shared>> -> memref<128x16xf32, #tpu.memory_space<vmem_shared>>
      tpu.wait_dma2 semaphore(%run_scoped3A : memref<!tpu.dma_semaphore, #tpu.memory_space<semaphore_mem>>) src(%arg11 : memref<128x16xf32, #tpu.memory_space<vmem>>) dst(%dma_wait3A_63 : memref<128x16xf32, #tpu.memory_space<vmem_shared>>)
      tpu.yield
    }) : () -> ()
    %mul3A_17 = arith.constant 640 : i32
    %mul3A_18 = arith.muli %arg1, %mul3A_17 : i32
    %add3A_19 = arith.constant 128 : i32
    %add3A_20 = arith.addi %mul3A_18, %add3A_19 : i32
    "tpu.region"() ({
      %run_scoped3A = tpu.sem_alloc : memref<!tpu.dma_semaphore, #tpu.memory_space<semaphore_mem>>
      %dma_start3A = arith.constant 0 : i32
      %dma_start3A_57 = tpu.memref_slice %arg13[%add3A_20, %dma_start3A] : memref<10240x16xf32, #tpu.memory_space<vmem_shared>> -> memref<128x16xf32, #tpu.memory_space<vmem_shared>>
      %dma_start3A_58 = arith.constant 0 : i32
      %dma_start3A_59 = tpu.memref_slice %arg13[%add3A_20, %dma_start3A_58] : memref<10240x16xf32, #tpu.memory_space<vmem_shared>> -> memref<128x16xf32, #tpu.memory_space<vmem_shared>>
      tpu.enqueue_dma source(%arg11 : memref<128x16xf32, #tpu.memory_space<vmem>>) target(%dma_start3A_59 : memref<128x16xf32, #tpu.memory_space<vmem_shared>>) target_semaphore(%run_scoped3A : memref<!tpu.dma_semaphore, #tpu.memory_space<semaphore_mem>>)
      %dma_wait3A_60 = arith.constant 0 : i32
      %dma_wait3A_61 = tpu.memref_slice %arg13[%add3A_20, %dma_wait3A_60] : memref<10240x16xf32, #tpu.memory_space<vmem_shared>> -> memref<128x16xf32, #tpu.memory_space<vmem_shared>>
      %dma_wait3A_62 = arith.constant 0 : i32
      %dma_wait3A_63 = tpu.memref_slice %arg13[%add3A_20, %dma_wait3A_62] : memref<10240x16xf32, #tpu.memory_space<vmem_shared>> -> memref<128x16xf32, #tpu.memory_space<vmem_shared>>
      tpu.wait_dma2 semaphore(%run_scoped3A : memref<!tpu.dma_semaphore, #tpu.memory_space<semaphore_mem>>) src(%arg11 : memref<128x16xf32, #tpu.memory_space<vmem>>) dst(%dma_wait3A_63 : memref<128x16xf32, #tpu.memory_space<vmem_shared>>)
      tpu.yield
    }) : () -> ()
    %mul3A_21 = arith.constant 640 : i32
    %mul3A_22 = arith.muli %arg1, %mul3A_21 : i32
    %add3A_23 = arith.constant 256 : i32
    %add3A_24 = arith.addi %mul3A_22, %add3A_23 : i32
    "tpu.region"() ({
      %run_scoped3A = tpu.sem_alloc : memref<!tpu.dma_semaphore, #tpu.memory_space<semaphore_mem>>
      %dma_start3A = arith.constant 0 : i32
      %dma_start3A_57 = tpu.memref_slice %arg13[%add3A_24, %dma_start3A] : memref<10240x16xf32, #tpu.memory_space<vmem_shared>> -> memref<128x16xf32, #tpu.memory_space<vmem_shared>>
      %dma_start3A_58 = arith.constant 0 : i32
      %dma_start3A_59 = tpu.memref_slice %arg13[%add3A_24, %dma_start3A_58] : memref<10240x16xf32, #tpu.memory_space<vmem_shared>> -> memref<128x16xf32, #tpu.memory_space<vmem_shared>>
      tpu.enqueue_dma source(%arg11 : memref<128x16xf32, #tpu.memory_space<vmem>>) target(%dma_start3A_59 : memref<128x16xf32, #tpu.memory_space<vmem_shared>>) target_semaphore(%run_scoped3A : memref<!tpu.dma_semaphore, #tpu.memory_space<semaphore_mem>>)
      %dma_wait3A_60 = arith.constant 0 : i32
      %dma_wait3A_61 = tpu.memref_slice %arg13[%add3A_24, %dma_wait3A_60] : memref<10240x16xf32, #tpu.memory_space<vmem_shared>> -> memref<128x16xf32, #tpu.memory_space<vmem_shared>>
      %dma_wait3A_62 = arith.constant 0 : i32
      %dma_wait3A_63 = tpu.memref_slice %arg13[%add3A_24, %dma_wait3A_62] : memref<10240x16xf32, #tpu.memory_space<vmem_shared>> -> memref<128x16xf32, #tpu.memory_space<vmem_shared>>
      tpu.wait_dma2 semaphore(%run_scoped3A : memref<!tpu.dma_semaphore, #tpu.memory_space<semaphore_mem>>) src(%arg11 : memref<128x16xf32, #tpu.memory_space<vmem>>) dst(%dma_wait3A_63 : memref<128x16xf32, #tpu.memory_space<vmem_shared>>)
      tpu.yield
    }) : () -> ()
    %mul3A_25 = arith.constant 640 : i32
    %mul3A_26 = arith.muli %arg1, %mul3A_25 : i32
    %add3A_27 = arith.constant 384 : i32
    %add3A_28 = arith.addi %mul3A_26, %add3A_27 : i32
    "tpu.region"() ({
      %run_scoped3A = tpu.sem_alloc : memref<!tpu.dma_semaphore, #tpu.memory_space<semaphore_mem>>
      %dma_start3A = arith.constant 0 : i32
      %dma_start3A_57 = tpu.memref_slice %arg13[%add3A_28, %dma_start3A] : memref<10240x16xf32, #tpu.memory_space<vmem_shared>> -> memref<128x16xf32, #tpu.memory_space<vmem_shared>>
      %dma_start3A_58 = arith.constant 0 : i32
      %dma_start3A_59 = tpu.memref_slice %arg13[%add3A_28, %dma_start3A_58] : memref<10240x16xf32, #tpu.memory_space<vmem_shared>> -> memref<128x16xf32, #tpu.memory_space<vmem_shared>>
      tpu.enqueue_dma source(%arg11 : memref<128x16xf32, #tpu.memory_space<vmem>>) target(%dma_start3A_59 : memref<128x16xf32, #tpu.memory_space<vmem_shared>>) target_semaphore(%run_scoped3A : memref<!tpu.dma_semaphore, #tpu.memory_space<semaphore_mem>>)
      %dma_wait3A_60 = arith.constant 0 : i32
      %dma_wait3A_61 = tpu.memref_slice %arg13[%add3A_28, %dma_wait3A_60] : memref<10240x16xf32, #tpu.memory_space<vmem_shared>> -> memref<128x16xf32, #tpu.memory_space<vmem_shared>>
      %dma_wait3A_62 = arith.constant 0 : i32
      %dma_wait3A_63 = tpu.memref_slice %arg13[%add3A_28, %dma_wait3A_62] : memref<10240x16xf32, #tpu.memory_space<vmem_shared>> -> memref<128x16xf32, #tpu.memory_space<vmem_shared>>
      tpu.wait_dma2 semaphore(%run_scoped3A : memref<!tpu.dma_semaphore, #tpu.memory_space<semaphore_mem>>) src(%arg11 : memref<128x16xf32, #tpu.memory_space<vmem>>) dst(%dma_wait3A_63 : memref<128x16xf32, #tpu.memory_space<vmem_shared>>)
      tpu.yield
    }) : () -> ()
    %mul3A_29 = arith.constant 640 : i32
    %mul3A_30 = arith.muli %arg1, %mul3A_29 : i32
    %add3A_31 = arith.constant 512 : i32
    %add3A_32 = arith.addi %mul3A_30, %add3A_31 : i32
    "tpu.region"() ({
      %run_scoped3A = tpu.sem_alloc : memref<!tpu.dma_semaphore, #tpu.memory_space<semaphore_mem>>
      %dma_start3A = arith.constant 0 : i32
      %dma_start3A_57 = tpu.memref_slice %arg13[%add3A_32, %dma_start3A] : memref<10240x16xf32, #tpu.memory_space<vmem_shared>> -> memref<128x16xf32, #tpu.memory_space<vmem_shared>>
      %dma_start3A_58 = arith.constant 0 : i32
      %dma_start3A_59 = tpu.memref_slice %arg13[%add3A_32, %dma_start3A_58] : memref<10240x16xf32, #tpu.memory_space<vmem_shared>> -> memref<128x16xf32, #tpu.memory_space<vmem_shared>>
      tpu.enqueue_dma source(%arg11 : memref<128x16xf32, #tpu.memory_space<vmem>>) target(%dma_start3A_59 : memref<128x16xf32, #tpu.memory_space<vmem_shared>>) target_semaphore(%run_scoped3A : memref<!tpu.dma_semaphore, #tpu.memory_space<semaphore_mem>>)
      %dma_wait3A_60 = arith.constant 0 : i32
      %dma_wait3A_61 = tpu.memref_slice %arg13[%add3A_32, %dma_wait3A_60] : memref<10240x16xf32, #tpu.memory_space<vmem_shared>> -> memref<128x16xf32, #tpu.memory_space<vmem_shared>>
      %dma_wait3A_62 = arith.constant 0 : i32
      %dma_wait3A_63 = tpu.memref_slice %arg13[%add3A_32, %dma_wait3A_62] : memref<10240x16xf32, #tpu.memory_space<vmem_shared>> -> memref<128x16xf32, #tpu.memory_space<vmem_shared>>
      tpu.wait_dma2 semaphore(%run_scoped3A : memref<!tpu.dma_semaphore, #tpu.memory_space<semaphore_mem>>) src(%arg11 : memref<128x16xf32, #tpu.memory_space<vmem>>) dst(%dma_wait3A_63 : memref<128x16xf32, #tpu.memory_space<vmem_shared>>)
      tpu.yield
    }) : () -> ()
    %barrier3A = arith.constant 0 : index
    tpu.barrier barrier_id(%barrier3A)
    %scan3A_33 = arith.constant 0 : i32
    %scan3A_34 = arith.constant 0 : i32
    %scan3A_35 = arith.constant 40 : i32
    %scan3A_36 = arith.addi %scan3A_34, %scan3A_35 : i32
    %scan3A_37 = arith.constant 1 : i32
    scf.for %scan3A_57 = %scan3A_34 to %scan3A_36 step %scan3A_37  : i32 {
      %mul3A_58 = arith.constant 128 : i32
      %mul3A_59 = arith.muli %scan3A_57, %mul3A_58 : i32
      %dma_start3A = arith.constant 0 : i32
      %dma_start3A_60 = tpu.memref_slice %arg9[%mul3A_59, %dma_start3A] : memref<5120x16xf32, #tpu.memory_space<vmem>> -> memref<128x16xf32, #tpu.memory_space<vmem>>
      %dma_start3A_61 = arith.constant 0 : i32
      %dma_start3A_62 = tpu.memref_slice %arg7[%scan3A_57, %dma_start3A_61] : memref<40x128xi32, #tpu.memory_space<vmem>> -> memref<1x128xi32, #tpu.memory_space<vmem>>
      %dma_start3A_63 = tpu.memref_squeeze %dma_start3A_62 : memref<1x128xi32, #tpu.memory_space<vmem>> -> memref<128xi32, #tpu.memory_space<vmem>>
      %dma_start3A_64 = arith.constant 0 : i32
      %dma_start3A_65 = arith.constant 0 : i32
      %dma_start3A_66 = tpu.memref_slice %arg12[%dma_start3A_64, %dma_start3A_65] : memref<10000x16xf32, #tpu.memory_space<vmem_shared>> -> memref<10000x16xf32, #tpu.memory_space<vmem_shared>>
      tpu.enqueue_indirect_dma source(%dma_start3A_66 : memref<10000x16xf32, #tpu.memory_space<vmem_shared>>) target(%dma_start3A_60 : memref<128x16xf32, #tpu.memory_space<vmem>>) offsets(%dma_start3A_63 : memref<128xi32, #tpu.memory_space<vmem>>) semaphore(%arg14 : memref<!tpu.dma_semaphore, #tpu.memory_space<semaphore_mem>>)
    }
    %scan3A_38 = arith.constant 40 : i32
    %scan3A_39 = arith.constant 0 : i32
    %scan3A_40 = arith.constant 0 : i32
    %scan3A_41 = arith.constant 40 : i32
    %scan3A_42 = arith.addi %scan3A_40, %scan3A_41 : i32
    %scan3A_43 = arith.constant 1 : i32
    scf.for %scan3A_57 = %scan3A_40 to %scan3A_42 step %scan3A_43  : i32 {
      "tpu.region"() ({
        %run_scoped3A = tpu.sem_alloc : memref<!tpu.dma_semaphore, #tpu.memory_space<semaphore_mem>>
        %dma_start3A = arith.constant 0 : i32
        %dma_start3A_58 = tpu.memref_slice %arg8[%scan3A_57, %dma_start3A] : memref<40x128xi32, #tpu.memory_space<vmem>> -> memref<1x128xi32, #tpu.memory_space<vmem>>
        %dma_start3A_59 = tpu.memref_squeeze %dma_start3A_58 : memref<1x128xi32, #tpu.memory_space<vmem>> -> memref<128xi32, #tpu.memory_space<vmem>>
        %dma_start3A_60 = arith.constant 0 : i32
        %dma_start3A_61 = arith.constant 0 : i32
        %dma_start3A_62 = tpu.memref_slice %arg13[%dma_start3A_60, %dma_start3A_61] : memref<10240x16xf32, #tpu.memory_space<vmem_shared>> -> memref<10240x16xf32, #tpu.memory_space<vmem_shared>>
        tpu.enqueue_indirect_dma source(%arg10 : memref<128x16xf32, #tpu.memory_space<vmem>>) target(%dma_start3A_62 : memref<10240x16xf32, #tpu.memory_space<vmem_shared>>) offsets(%dma_start3A_59 : memref<128xi32, #tpu.memory_space<vmem>>) semaphore(%run_scoped3A : memref<!tpu.dma_semaphore, #tpu.memory_space<semaphore_mem>>) {add = true}
        %dma_wait3A_63 = arith.constant 0 : i32
        %dma_wait3A_64 = tpu.memref_slice %arg8[%scan3A_57, %dma_wait3A_63] : memref<40x128xi32, #tpu.memory_space<vmem>> -> memref<1x128xi32, #tpu.memory_space<vmem>>
        %dma_wait3A_65 = tpu.memref_squeeze %dma_wait3A_64 : memref<1x128xi32, #tpu.memory_space<vmem>> -> memref<128xi32, #tpu.memory_space<vmem>>
        %dma_wait3A_66 = arith.constant 0 : i32
        %dma_wait3A_67 = arith.constant 0 : i32
        %dma_wait3A_68 = tpu.memref_slice %arg13[%dma_wait3A_66, %dma_wait3A_67] : memref<10240x16xf32, #tpu.memory_space<vmem_shared>> -> memref<10240x16xf32, #tpu.memory_space<vmem_shared>>
        tpu.wait_indirect_dma semaphore(%run_scoped3A : memref<!tpu.dma_semaphore, #tpu.memory_space<semaphore_mem>>) src(%arg10 : memref<128x16xf32, #tpu.memory_space<vmem>>) dst(%dma_wait3A_68 : memref<10240x16xf32, #tpu.memory_space<vmem_shared>>)
        tpu.yield
      }) : () -> ()
    }
    %scan3A_44 = arith.constant 40 : i32
    %mul3A_45 = arith.constant 5120 : i32
    %mul3A_46 = arith.muli %add3A, %mul3A_45 : i32
    %dma_wait3A = arith.constant 0 : i32
    %dma_wait3A_47 = tpu.memref_slice %arg5[%mul3A_46, %dma_wait3A] : memref<163840x16xf32, #tpu.memory_space<hbm>> -> memref<5120x16xf32, #tpu.memory_space<hbm>>
    %dma_wait3A_48 = arith.constant 0 : i32
    %dma_wait3A_49 = tpu.memref_slice %arg5[%mul3A_46, %dma_wait3A_48] : memref<163840x16xf32, #tpu.memory_space<hbm>> -> memref<5120x16xf32, #tpu.memory_space<hbm>>
    tpu.wait_dma2 semaphore(%arg14 : memref<!tpu.dma_semaphore, #tpu.memory_space<semaphore_mem>>) src(%dma_wait3A_49 : memref<5120x16xf32, #tpu.memory_space<hbm>>) dst(%arg9 : memref<5120x16xf32, #tpu.memory_space<vmem>>)
    %mul3A_50 = arith.constant 5120 : i32
    %mul3A_51 = arith.muli %add3A, %mul3A_50 : i32
    "tpu.region"() ({
      %run_scoped3A = tpu.sem_alloc : memref<!tpu.dma_semaphore, #tpu.memory_space<semaphore_mem>>
      %dma_start3A = arith.constant 0 : i32
      %dma_start3A_57 = tpu.memref_slice %arg5[%mul3A_51, %dma_start3A] : memref<163840x16xf32, #tpu.memory_space<hbm>> -> memref<5120x16xf32, #tpu.memory_space<hbm>>
      %dma_start3A_58 = arith.constant 0 : i32
      %dma_start3A_59 = tpu.memref_slice %arg5[%mul3A_51, %dma_start3A_58] : memref<163840x16xf32, #tpu.memory_space<hbm>> -> memref<5120x16xf32, #tpu.memory_space<hbm>>
      tpu.enqueue_dma source(%arg9 : memref<5120x16xf32, #tpu.memory_space<vmem>>) target(%dma_start3A_59 : memref<5120x16xf32, #tpu.memory_space<hbm>>) target_semaphore(%run_scoped3A : memref<!tpu.dma_semaphore, #tpu.memory_space<semaphore_mem>>)
      %dma_wait3A_60 = arith.constant 0 : i32
      %dma_wait3A_61 = tpu.memref_slice %arg5[%mul3A_51, %dma_wait3A_60] : memref<163840x16xf32, #tpu.memory_space<hbm>> -> memref<5120x16xf32, #tpu.memory_space<hbm>>
      %dma_wait3A_62 = arith.constant 0 : i32
      %dma_wait3A_63 = tpu.memref_slice %arg5[%mul3A_51, %dma_wait3A_62] : memref<163840x16xf32, #tpu.memory_space<hbm>> -> memref<5120x16xf32, #tpu.memory_space<hbm>>
      tpu.wait_dma2 semaphore(%run_scoped3A : memref<!tpu.dma_semaphore, #tpu.memory_space<semaphore_mem>>) src(%arg9 : memref<5120x16xf32, #tpu.memory_space<vmem>>) dst(%dma_wait3A_63 : memref<5120x16xf32, #tpu.memory_space<hbm>>)
      tpu.yield
    }) : () -> ()
    %barrier3A_52 = arith.constant 0 : index
    tpu.barrier barrier_id(%barrier3A_52)
    %mul3A_53 = arith.constant 625 : i32
    %mul3A_54 = arith.muli %arg1, %mul3A_53 : i32
    %mul3A_55 = arith.constant 625 : i32
    %mul3A_56 = arith.muli %arg1, %mul3A_55 : i32
    "tpu.region"() ({
      %run_scoped3A = tpu.sem_alloc : memref<!tpu.dma_semaphore, #tpu.memory_space<semaphore_mem>>
      %dma_start3A = arith.constant 0 : i32
      %dma_start3A_57 = tpu.memref_slice %arg6[%arg0, %mul3A_56, %dma_start3A] : memref<2x10000x16xf32, #tpu.memory_space<hbm>> -> memref<1x625x16xf32, #tpu.memory_space<hbm>>
      %dma_start3A_58 = tpu.memref_squeeze %dma_start3A_57 : memref<1x625x16xf32, #tpu.memory_space<hbm>> -> memref<625x16xf32, #tpu.memory_space<hbm>>
      %dma_start3A_59 = arith.constant 0 : i32
      %dma_start3A_60 = tpu.memref_slice %arg13[%mul3A_54, %dma_start3A_59] : memref<10240x16xf32, #tpu.memory_space<vmem_shared>> -> memref<625x16xf32, #tpu.memory_space<vmem_shared>>
      tpu.enqueue_dma source(%dma_start3A_60 : memref<625x16xf32, #tpu.memory_space<vmem_shared>>) target(%dma_start3A_58 : memref<625x16xf32, #tpu.memory_space<hbm>>) target_semaphore(%run_scoped3A : memref<!tpu.dma_semaphore, #tpu.memory_space<semaphore_mem>>)
      %dma_wait3A_61 = arith.constant 0 : i32
      %dma_wait3A_62 = tpu.memref_slice %arg6[%arg0, %mul3A_56, %dma_wait3A_61] : memref<2x10000x16xf32, #tpu.memory_space<hbm>> -> memref<1x625x16xf32, #tpu.memory_space<hbm>>
      %dma_wait3A_63 = tpu.memref_squeeze %dma_wait3A_62 : memref<1x625x16xf32, #tpu.memory_space<hbm>> -> memref<625x16xf32, #tpu.memory_space<hbm>>
      %dma_wait3A_64 = arith.constant 0 : i32
      %dma_wait3A_65 = tpu.memref_slice %arg13[%mul3A_54, %dma_wait3A_64] : memref<10240x16xf32, #tpu.memory_space<vmem_shared>> -> memref<625x16xf32, #tpu.memory_space<vmem_shared>>
      tpu.wait_dma2 semaphore(%run_scoped3A : memref<!tpu.dma_semaphore, #tpu.memory_space<semaphore_mem>>) src(%dma_wait3A_65 : memref<625x16xf32, #tpu.memory_space<vmem_shared>>) dst(%dma_wait3A_63 : memref<625x16xf32, #tpu.memory_space<hbm>>)
      tpu.yield
    }) : () -> ()
    return
  }
}

#map = affine_map<(d0, d1) -> (0, 0)>
#map1 = affine_map<(d0, d1) -> (0, 0, 0)>
module attributes {stable_mosaic.version = 14 : i64} {
  func.func @_scatter_body(%arg0: i32, %arg1: i32, %arg2: memref<163840x128xf32, #tpu.memory_space<hbm>>, %arg3: memref<32x80x64xi32, #tpu.memory_space<hbm>>, %arg4: memref<2x10000x128xf32, #tpu.memory_space<hbm>>, %arg5: memref<80x64xi32, #tpu.memory_space<vmem>>, %arg6: memref<64x128xf32, #tpu.memory_space<vmem>>, %arg7: memref<64x128xf32, #tpu.memory_space<vmem>>, %arg8: memref<64x128xf32, #tpu.memory_space<vmem>>, %arg9: memref<64x128xf32, #tpu.memory_space<vmem>>, %arg10: memref<10240x128xf32, #tpu.memory_space<vmem_shared>>, %arg11: memref<!tpu.dma_semaphore, #tpu.memory_space<semaphore_mem>>, %arg12: memref<!tpu.dma_semaphore, #tpu.memory_space<semaphore_mem>>, %arg13: memref<!tpu.dma_semaphore, #tpu.memory_space<semaphore_mem>>, %arg14: memref<!tpu.dma_semaphore, #tpu.memory_space<semaphore_mem>>) attributes {dimension_semantics = [#tpu.dimension_semantics<core_parallel>, #tpu.dimension_semantics<subcore_parallel>], iteration_bounds = array<i64: 2, 16>, scalar_prefetch = 0 : i64, scratch_operands = 10 : i64, tpu.core_type = #tpu.core_type<sc_vector_subcore>, window_params = [{transform_indices = #map}, {transform_indices = #map1}, {transform_indices = #map1}]} {
    %mul3A = arith.constant 2 : i32
    %mul3A_0 = arith.muli %arg1, %mul3A : i32
    %add3A = arith.addi %mul3A_0, %arg0 : i32
    %mul3A_1 = arith.constant 5120 : i32
    %mul3A_2 = arith.muli %add3A, %mul3A_1 : i32
    %broadcast_in_dim3A = arith.constant 0.000000e+00 : f32
    %broadcast_in_dim3A_3 = vector.broadcast %broadcast_in_dim3A : f32 to vector<16xf32>
    %scan3A = arith.constant 0 : i32
    %scan3A_4 = arith.constant 0 : i32
    %scan3A_5 = arith.constant 64 : i32
    %scan3A_6 = arith.addi %scan3A_4, %scan3A_5 : i32
    %scan3A_7 = arith.constant 1 : i32
    scf.for %scan3A_83 = %scan3A_4 to %scan3A_6 step %scan3A_7  : i32 {
      %swap3A = arith.index_cast %scan3A_83 : i32 to index
      %swap3A_84 = arith.constant 0 : index
      %swap3A_85 = tpu.vector_load %arg6[%swap3A, %swap3A_84] {strides = array<i32>} : memref<64x128xf32, #tpu.memory_space<vmem>>, vector<1x16xf32>,
      %swap3A_86 = vector.shape_cast %swap3A_85 : vector<1x16xf32> to vector<16xf32>
      %swap3A_87 = vector.shape_cast %broadcast_in_dim3A_3 : vector<16xf32> to vector<1x16xf32>
      tpu.vector_store %arg6[%swap3A, %swap3A_84], %swap3A_87 {strides = array<i32>} : memref<64x128xf32, #tpu.memory_space<vmem>>, vector<1x16xf32>,
      %swap3A_88 = arith.index_cast %scan3A_83 : i32 to index
      %swap3A_89 = arith.constant 16 : index
      %swap3A_90 = tpu.vector_load %arg6[%swap3A_88, %swap3A_89] {strides = array<i32>} : memref<64x128xf32, #tpu.memory_space<vmem>>, vector<1x16xf32>,
      %swap3A_91 = vector.shape_cast %swap3A_90 : vector<1x16xf32> to vector<16xf32>
      %swap3A_92 = vector.shape_cast %broadcast_in_dim3A_3 : vector<16xf32> to vector<1x16xf32>
      tpu.vector_store %arg6[%swap3A_88, %swap3A_89], %swap3A_92 {strides = array<i32>} : memref<64x128xf32, #tpu.memory_space<vmem>>, vector<1x16xf32>,
      %swap3A_93 = arith.index_cast %scan3A_83 : i32 to index
      %swap3A_94 = arith.constant 32 : index
      %swap3A_95 = tpu.vector_load %arg6[%swap3A_93, %swap3A_94] {strides = array<i32>} : memref<64x128xf32, #tpu.memory_space<vmem>>, vector<1x16xf32>,
      %swap3A_96 = vector.shape_cast %swap3A_95 : vector<1x16xf32> to vector<16xf32>
      %swap3A_97 = vector.shape_cast %broadcast_in_dim3A_3 : vector<16xf32> to vector<1x16xf32>
      tpu.vector_store %arg6[%swap3A_93, %swap3A_94], %swap3A_97 {strides = array<i32>} : memref<64x128xf32, #tpu.memory_space<vmem>>, vector<1x16xf32>,
      %swap3A_98 = arith.index_cast %scan3A_83 : i32 to index
      %swap3A_99 = arith.constant 48 : index
      %swap3A_100 = tpu.vector_load %arg6[%swap3A_98, %swap3A_99] {strides = array<i32>} : memref<64x128xf32, #tpu.memory_space<vmem>>, vector<1x16xf32>,
      %swap3A_101 = vector.shape_cast %swap3A_100 : vector<1x16xf32> to vector<16xf32>
      %swap3A_102 = vector.shape_cast %broadcast_in_dim3A_3 : vector<16xf32> to vector<1x16xf32>
      tpu.vector_store %arg6[%swap3A_98, %swap3A_99], %swap3A_102 {strides = array<i32>} : memref<64x128xf32, #tpu.memory_space<vmem>>, vector<1x16xf32>,
      %swap3A_103 = arith.index_cast %scan3A_83 : i32 to index
      %swap3A_104 = arith.constant 64 : index
      %swap3A_105 = tpu.vector_load %arg6[%swap3A_103, %swap3A_104] {strides = array<i32>} : memref<64x128xf32, #tpu.memory_space<vmem>>, vector<1x16xf32>,
      %swap3A_106 = vector.shape_cast %swap3A_105 : vector<1x16xf32> to vector<16xf32>
      %swap3A_107 = vector.shape_cast %broadcast_in_dim3A_3 : vector<16xf32> to vector<1x16xf32>
      tpu.vector_store %arg6[%swap3A_103, %swap3A_104], %swap3A_107 {strides = array<i32>} : memref<64x128xf32, #tpu.memory_space<vmem>>, vector<1x16xf32>,
      %swap3A_108 = arith.index_cast %scan3A_83 : i32 to index
      %swap3A_109 = arith.constant 80 : index
      %swap3A_110 = tpu.vector_load %arg6[%swap3A_108, %swap3A_109] {strides = array<i32>} : memref<64x128xf32, #tpu.memory_space<vmem>>, vector<1x16xf32>,
      %swap3A_111 = vector.shape_cast %swap3A_110 : vector<1x16xf32> to vector<16xf32>
      %swap3A_112 = vector.shape_cast %broadcast_in_dim3A_3 : vector<16xf32> to vector<1x16xf32>
      tpu.vector_store %arg6[%swap3A_108, %swap3A_109], %swap3A_112 {strides = array<i32>} : memref<64x128xf32, #tpu.memory_space<vmem>>, vector<1x16xf32>,
      %swap3A_113 = arith.index_cast %scan3A_83 : i32 to index
      %swap3A_114 = arith.constant 96 : index
      %swap3A_115 = tpu.vector_load %arg6[%swap3A_113, %swap3A_114] {strides = array<i32>} : memref<64x128xf32, #tpu.memory_space<vmem>>, vector<1x16xf32>,
      %swap3A_116 = vector.shape_cast %swap3A_115 : vector<1x16xf32> to vector<16xf32>
      %swap3A_117 = vector.shape_cast %broadcast_in_dim3A_3 : vector<16xf32> to vector<1x16xf32>
      tpu.vector_store %arg6[%swap3A_113, %swap3A_114], %swap3A_117 {strides = array<i32>} : memref<64x128xf32, #tpu.memory_space<vmem>>, vector<1x16xf32>,
      %swap3A_118 = arith.index_cast %scan3A_83 : i32 to index
      %swap3A_119 = arith.constant 112 : index
      %swap3A_120 = tpu.vector_load %arg6[%swap3A_118, %swap3A_119] {strides = array<i32>} : memref<64x128xf32, #tpu.memory_space<vmem>>, vector<1x16xf32>,
      %swap3A_121 = vector.shape_cast %swap3A_120 : vector<1x16xf32> to vector<16xf32>
      %swap3A_122 = vector.shape_cast %broadcast_in_dim3A_3 : vector<16xf32> to vector<1x16xf32>
      tpu.vector_store %arg6[%swap3A_118, %swap3A_119], %swap3A_122 {strides = array<i32>} : memref<64x128xf32, #tpu.memory_space<vmem>>, vector<1x16xf32>,
    }
    %scan3A_8 = arith.constant 64 : i32
    %mul3A_9 = arith.constant 640 : i32
    %mul3A_10 = arith.muli %arg1, %mul3A_9 : i32
    %add3A_11 = arith.constant 0 : i32
    %add3A_12 = arith.addi %mul3A_10, %add3A_11 : i32
    "tpu.region"() ({
      %run_scoped3A = tpu.sem_alloc : memref<!tpu.dma_semaphore, #tpu.memory_space<semaphore_mem>>
      %dma_start3A_83 = arith.constant 0 : i32
      %dma_start3A_84 = tpu.memref_slice %arg10[%add3A_12, %dma_start3A_83] : memref<10240x128xf32, #tpu.memory_space<vmem_shared>> -> memref<64x128xf32, #tpu.memory_space<vmem_shared>>
      %dma_start3A_85 = arith.constant 0 : i32
      %dma_start3A_86 = tpu.memref_slice %arg10[%add3A_12, %dma_start3A_85] : memref<10240x128xf32, #tpu.memory_space<vmem_shared>> -> memref<64x128xf32, #tpu.memory_space<vmem_shared>>
      tpu.enqueue_dma source(%arg6 : memref<64x128xf32, #tpu.memory_space<vmem>>) target(%dma_start3A_86 : memref<64x128xf32, #tpu.memory_space<vmem_shared>>) target_semaphore(%run_scoped3A : memref<!tpu.dma_semaphore, #tpu.memory_space<semaphore_mem>>)
      %dma_wait3A = arith.constant 0 : i32
      %dma_wait3A_87 = tpu.memref_slice %arg10[%add3A_12, %dma_wait3A] : memref<10240x128xf32, #tpu.memory_space<vmem_shared>> -> memref<64x128xf32, #tpu.memory_space<vmem_shared>>
      %dma_wait3A_88 = arith.constant 0 : i32
      %dma_wait3A_89 = tpu.memref_slice %arg10[%add3A_12, %dma_wait3A_88] : memref<10240x128xf32, #tpu.memory_space<vmem_shared>> -> memref<64x128xf32, #tpu.memory_space<vmem_shared>>
      tpu.wait_dma2 semaphore(%run_scoped3A : memref<!tpu.dma_semaphore, #tpu.memory_space<semaphore_mem>>) src(%arg6 : memref<64x128xf32, #tpu.memory_space<vmem>>) dst(%dma_wait3A_89 : memref<64x128xf32, #tpu.memory_space<vmem_shared>>)
      tpu.yield
    }) : () -> ()
    %mul3A_13 = arith.constant 640 : i32
    %mul3A_14 = arith.muli %arg1, %mul3A_13 : i32
    %add3A_15 = arith.constant 64 : i32
    %add3A_16 = arith.addi %mul3A_14, %add3A_15 : i32
    "tpu.region"() ({
      %run_scoped3A = tpu.sem_alloc : memref<!tpu.dma_semaphore, #tpu.memory_space<semaphore_mem>>
      %dma_start3A_83 = arith.constant 0 : i32
      %dma_start3A_84 = tpu.memref_slice %arg10[%add3A_16, %dma_start3A_83] : memref<10240x128xf32, #tpu.memory_space<vmem_shared>> -> memref<64x128xf32, #tpu.memory_space<vmem_shared>>
      %dma_start3A_85 = arith.constant 0 : i32
      %dma_start3A_86 = tpu.memref_slice %arg10[%add3A_16, %dma_start3A_85] : memref<10240x128xf32, #tpu.memory_space<vmem_shared>> -> memref<64x128xf32, #tpu.memory_space<vmem_shared>>
      tpu.enqueue_dma source(%arg6 : memref<64x128xf32, #tpu.memory_space<vmem>>) target(%dma_start3A_86 : memref<64x128xf32, #tpu.memory_space<vmem_shared>>) target_semaphore(%run_scoped3A : memref<!tpu.dma_semaphore, #tpu.memory_space<semaphore_mem>>)
      %dma_wait3A = arith.constant 0 : i32
      %dma_wait3A_87 = tpu.memref_slice %arg10[%add3A_16, %dma_wait3A] : memref<10240x128xf32, #tpu.memory_space<vmem_shared>> -> memref<64x128xf32, #tpu.memory_space<vmem_shared>>
      %dma_wait3A_88 = arith.constant 0 : i32
      %dma_wait3A_89 = tpu.memref_slice %arg10[%add3A_16, %dma_wait3A_88] : memref<10240x128xf32, #tpu.memory_space<vmem_shared>> -> memref<64x128xf32, #tpu.memory_space<vmem_shared>>
      tpu.wait_dma2 semaphore(%run_scoped3A : memref<!tpu.dma_semaphore, #tpu.memory_space<semaphore_mem>>) src(%arg6 : memref<64x128xf32, #tpu.memory_space<vmem>>) dst(%dma_wait3A_89 : memref<64x128xf32, #tpu.memory_space<vmem_shared>>)
      tpu.yield
    }) : () -> ()
    %mul3A_17 = arith.constant 640 : i32
    %mul3A_18 = arith.muli %arg1, %mul3A_17 : i32
    %add3A_19 = arith.constant 128 : i32
    %add3A_20 = arith.addi %mul3A_18, %add3A_19 : i32
    "tpu.region"() ({
      %run_scoped3A = tpu.sem_alloc : memref<!tpu.dma_semaphore, #tpu.memory_space<semaphore_mem>>
      %dma_start3A_83 = arith.constant 0 : i32
      %dma_start3A_84 = tpu.memref_slice %arg10[%add3A_20, %dma_start3A_83] : memref<10240x128xf32, #tpu.memory_space<vmem_shared>> -> memref<64x128xf32, #tpu.memory_space<vmem_shared>>
      %dma_start3A_85 = arith.constant 0 : i32
      %dma_start3A_86 = tpu.memref_slice %arg10[%add3A_20, %dma_start3A_85] : memref<10240x128xf32, #tpu.memory_space<vmem_shared>> -> memref<64x128xf32, #tpu.memory_space<vmem_shared>>
      tpu.enqueue_dma source(%arg6 : memref<64x128xf32, #tpu.memory_space<vmem>>) target(%dma_start3A_86 : memref<64x128xf32, #tpu.memory_space<vmem_shared>>) target_semaphore(%run_scoped3A : memref<!tpu.dma_semaphore, #tpu.memory_space<semaphore_mem>>)
      %dma_wait3A = arith.constant 0 : i32
      %dma_wait3A_87 = tpu.memref_slice %arg10[%add3A_20, %dma_wait3A] : memref<10240x128xf32, #tpu.memory_space<vmem_shared>> -> memref<64x128xf32, #tpu.memory_space<vmem_shared>>
      %dma_wait3A_88 = arith.constant 0 : i32
      %dma_wait3A_89 = tpu.memref_slice %arg10[%add3A_20, %dma_wait3A_88] : memref<10240x128xf32, #tpu.memory_space<vmem_shared>> -> memref<64x128xf32, #tpu.memory_space<vmem_shared>>
      tpu.wait_dma2 semaphore(%run_scoped3A : memref<!tpu.dma_semaphore, #tpu.memory_space<semaphore_mem>>) src(%arg6 : memref<64x128xf32, #tpu.memory_space<vmem>>) dst(%dma_wait3A_89 : memref<64x128xf32, #tpu.memory_space<vmem_shared>>)
      tpu.yield
    }) : () -> ()
    %mul3A_21 = arith.constant 640 : i32
    %mul3A_22 = arith.muli %arg1, %mul3A_21 : i32
    %add3A_23 = arith.constant 192 : i32
    %add3A_24 = arith.addi %mul3A_22, %add3A_23 : i32
    "tpu.region"() ({
      %run_scoped3A = tpu.sem_alloc : memref<!tpu.dma_semaphore, #tpu.memory_space<semaphore_mem>>
      %dma_start3A_83 = arith.constant 0 : i32
      %dma_start3A_84 = tpu.memref_slice %arg10[%add3A_24, %dma_start3A_83] : memref<10240x128xf32, #tpu.memory_space<vmem_shared>> -> memref<64x128xf32, #tpu.memory_space<vmem_shared>>
      %dma_start3A_85 = arith.constant 0 : i32
      %dma_start3A_86 = tpu.memref_slice %arg10[%add3A_24, %dma_start3A_85] : memref<10240x128xf32, #tpu.memory_space<vmem_shared>> -> memref<64x128xf32, #tpu.memory_space<vmem_shared>>
      tpu.enqueue_dma source(%arg6 : memref<64x128xf32, #tpu.memory_space<vmem>>) target(%dma_start3A_86 : memref<64x128xf32, #tpu.memory_space<vmem_shared>>) target_semaphore(%run_scoped3A : memref<!tpu.dma_semaphore, #tpu.memory_space<semaphore_mem>>)
      %dma_wait3A = arith.constant 0 : i32
      %dma_wait3A_87 = tpu.memref_slice %arg10[%add3A_24, %dma_wait3A] : memref<10240x128xf32, #tpu.memory_space<vmem_shared>> -> memref<64x128xf32, #tpu.memory_space<vmem_shared>>
      %dma_wait3A_88 = arith.constant 0 : i32
      %dma_wait3A_89 = tpu.memref_slice %arg10[%add3A_24, %dma_wait3A_88] : memref<10240x128xf32, #tpu.memory_space<vmem_shared>> -> memref<64x128xf32, #tpu.memory_space<vmem_shared>>
      tpu.wait_dma2 semaphore(%run_scoped3A : memref<!tpu.dma_semaphore, #tpu.memory_space<semaphore_mem>>) src(%arg6 : memref<64x128xf32, #tpu.memory_space<vmem>>) dst(%dma_wait3A_89 : memref<64x128xf32, #tpu.memory_space<vmem_shared>>)
      tpu.yield
    }) : () -> ()
    %mul3A_25 = arith.constant 640 : i32
    %mul3A_26 = arith.muli %arg1, %mul3A_25 : i32
    %add3A_27 = arith.constant 256 : i32
    %add3A_28 = arith.addi %mul3A_26, %add3A_27 : i32
    "tpu.region"() ({
      %run_scoped3A = tpu.sem_alloc : memref<!tpu.dma_semaphore, #tpu.memory_space<semaphore_mem>>
      %dma_start3A_83 = arith.constant 0 : i32
      %dma_start3A_84 = tpu.memref_slice %arg10[%add3A_28, %dma_start3A_83] : memref<10240x128xf32, #tpu.memory_space<vmem_shared>> -> memref<64x128xf32, #tpu.memory_space<vmem_shared>>
      %dma_start3A_85 = arith.constant 0 : i32
      %dma_start3A_86 = tpu.memref_slice %arg10[%add3A_28, %dma_start3A_85] : memref<10240x128xf32, #tpu.memory_space<vmem_shared>> -> memref<64x128xf32, #tpu.memory_space<vmem_shared>>
      tpu.enqueue_dma source(%arg6 : memref<64x128xf32, #tpu.memory_space<vmem>>) target(%dma_start3A_86 : memref<64x128xf32, #tpu.memory_space<vmem_shared>>) target_semaphore(%run_scoped3A : memref<!tpu.dma_semaphore, #tpu.memory_space<semaphore_mem>>)
      %dma_wait3A = arith.constant 0 : i32
      %dma_wait3A_87 = tpu.memref_slice %arg10[%add3A_28, %dma_wait3A] : memref<10240x128xf32, #tpu.memory_space<vmem_shared>> -> memref<64x128xf32, #tpu.memory_space<vmem_shared>>
      %dma_wait3A_88 = arith.constant 0 : i32
      %dma_wait3A_89 = tpu.memref_slice %arg10[%add3A_28, %dma_wait3A_88] : memref<10240x128xf32, #tpu.memory_space<vmem_shared>> -> memref<64x128xf32, #tpu.memory_space<vmem_shared>>
      tpu.wait_dma2 semaphore(%run_scoped3A : memref<!tpu.dma_semaphore, #tpu.memory_space<semaphore_mem>>) src(%arg6 : memref<64x128xf32, #tpu.memory_space<vmem>>) dst(%dma_wait3A_89 : memref<64x128xf32, #tpu.memory_space<vmem_shared>>)
      tpu.yield
    }) : () -> ()
    %mul3A_29 = arith.constant 640 : i32
    %mul3A_30 = arith.muli %arg1, %mul3A_29 : i32
    %add3A_31 = arith.constant 320 : i32
    %add3A_32 = arith.addi %mul3A_30, %add3A_31 : i32
    "tpu.region"() ({
      %run_scoped3A = tpu.sem_alloc : memref<!tpu.dma_semaphore, #tpu.memory_space<semaphore_mem>>
      %dma_start3A_83 = arith.constant 0 : i32
      %dma_start3A_84 = tpu.memref_slice %arg10[%add3A_32, %dma_start3A_83] : memref<10240x128xf32, #tpu.memory_space<vmem_shared>> -> memref<64x128xf32, #tpu.memory_space<vmem_shared>>
      %dma_start3A_85 = arith.constant 0 : i32
      %dma_start3A_86 = tpu.memref_slice %arg10[%add3A_32, %dma_start3A_85] : memref<10240x128xf32, #tpu.memory_space<vmem_shared>> -> memref<64x128xf32, #tpu.memory_space<vmem_shared>>
      tpu.enqueue_dma source(%arg6 : memref<64x128xf32, #tpu.memory_space<vmem>>) target(%dma_start3A_86 : memref<64x128xf32, #tpu.memory_space<vmem_shared>>) target_semaphore(%run_scoped3A : memref<!tpu.dma_semaphore, #tpu.memory_space<semaphore_mem>>)
      %dma_wait3A = arith.constant 0 : i32
      %dma_wait3A_87 = tpu.memref_slice %arg10[%add3A_32, %dma_wait3A] : memref<10240x128xf32, #tpu.memory_space<vmem_shared>> -> memref<64x128xf32, #tpu.memory_space<vmem_shared>>
      %dma_wait3A_88 = arith.constant 0 : i32
      %dma_wait3A_89 = tpu.memref_slice %arg10[%add3A_32, %dma_wait3A_88] : memref<10240x128xf32, #tpu.memory_space<vmem_shared>> -> memref<64x128xf32, #tpu.memory_space<vmem_shared>>
      tpu.wait_dma2 semaphore(%run_scoped3A : memref<!tpu.dma_semaphore, #tpu.memory_space<semaphore_mem>>) src(%arg6 : memref<64x128xf32, #tpu.memory_space<vmem>>) dst(%dma_wait3A_89 : memref<64x128xf32, #tpu.memory_space<vmem_shared>>)
      tpu.yield
    }) : () -> ()
    %mul3A_33 = arith.constant 640 : i32
    %mul3A_34 = arith.muli %arg1, %mul3A_33 : i32
    %add3A_35 = arith.constant 384 : i32
    %add3A_36 = arith.addi %mul3A_34, %add3A_35 : i32
    "tpu.region"() ({
      %run_scoped3A = tpu.sem_alloc : memref<!tpu.dma_semaphore, #tpu.memory_space<semaphore_mem>>
      %dma_start3A_83 = arith.constant 0 : i32
      %dma_start3A_84 = tpu.memref_slice %arg10[%add3A_36, %dma_start3A_83] : memref<10240x128xf32, #tpu.memory_space<vmem_shared>> -> memref<64x128xf32, #tpu.memory_space<vmem_shared>>
      %dma_start3A_85 = arith.constant 0 : i32
      %dma_start3A_86 = tpu.memref_slice %arg10[%add3A_36, %dma_start3A_85] : memref<10240x128xf32, #tpu.memory_space<vmem_shared>> -> memref<64x128xf32, #tpu.memory_space<vmem_shared>>
      tpu.enqueue_dma source(%arg6 : memref<64x128xf32, #tpu.memory_space<vmem>>) target(%dma_start3A_86 : memref<64x128xf32, #tpu.memory_space<vmem_shared>>) target_semaphore(%run_scoped3A : memref<!tpu.dma_semaphore, #tpu.memory_space<semaphore_mem>>)
      %dma_wait3A = arith.constant 0 : i32
      %dma_wait3A_87 = tpu.memref_slice %arg10[%add3A_36, %dma_wait3A] : memref<10240x128xf32, #tpu.memory_space<vmem_shared>> -> memref<64x128xf32, #tpu.memory_space<vmem_shared>>
      %dma_wait3A_88 = arith.constant 0 : i32
      %dma_wait3A_89 = tpu.memref_slice %arg10[%add3A_36, %dma_wait3A_88] : memref<10240x128xf32, #tpu.memory_space<vmem_shared>> -> memref<64x128xf32, #tpu.memory_space<vmem_shared>>
      tpu.wait_dma2 semaphore(%run_scoped3A : memref<!tpu.dma_semaphore, #tpu.memory_space<semaphore_mem>>) src(%arg6 : memref<64x128xf32, #tpu.memory_space<vmem>>) dst(%dma_wait3A_89 : memref<64x128xf32, #tpu.memory_space<vmem_shared>>)
      tpu.yield
    }) : () -> ()
    %mul3A_37 = arith.constant 640 : i32
    %mul3A_38 = arith.muli %arg1, %mul3A_37 : i32
    %add3A_39 = arith.constant 448 : i32
    %add3A_40 = arith.addi %mul3A_38, %add3A_39 : i32
    "tpu.region"() ({
      %run_scoped3A = tpu.sem_alloc : memref<!tpu.dma_semaphore, #tpu.memory_space<semaphore_mem>>
      %dma_start3A_83 = arith.constant 0 : i32
      %dma_start3A_84 = tpu.memref_slice %arg10[%add3A_40, %dma_start3A_83] : memref<10240x128xf32, #tpu.memory_space<vmem_shared>> -> memref<64x128xf32, #tpu.memory_space<vmem_shared>>
      %dma_start3A_85 = arith.constant 0 : i32
      %dma_start3A_86 = tpu.memref_slice %arg10[%add3A_40, %dma_start3A_85] : memref<10240x128xf32, #tpu.memory_space<vmem_shared>> -> memref<64x128xf32, #tpu.memory_space<vmem_shared>>
      tpu.enqueue_dma source(%arg6 : memref<64x128xf32, #tpu.memory_space<vmem>>) target(%dma_start3A_86 : memref<64x128xf32, #tpu.memory_space<vmem_shared>>) target_semaphore(%run_scoped3A : memref<!tpu.dma_semaphore, #tpu.memory_space<semaphore_mem>>)
      %dma_wait3A = arith.constant 0 : i32
      %dma_wait3A_87 = tpu.memref_slice %arg10[%add3A_40, %dma_wait3A] : memref<10240x128xf32, #tpu.memory_space<vmem_shared>> -> memref<64x128xf32, #tpu.memory_space<vmem_shared>>
      %dma_wait3A_88 = arith.constant 0 : i32
      %dma_wait3A_89 = tpu.memref_slice %arg10[%add3A_40, %dma_wait3A_88] : memref<10240x128xf32, #tpu.memory_space<vmem_shared>> -> memref<64x128xf32, #tpu.memory_space<vmem_shared>>
      tpu.wait_dma2 semaphore(%run_scoped3A : memref<!tpu.dma_semaphore, #tpu.memory_space<semaphore_mem>>) src(%arg6 : memref<64x128xf32, #tpu.memory_space<vmem>>) dst(%dma_wait3A_89 : memref<64x128xf32, #tpu.memory_space<vmem_shared>>)
      tpu.yield
    }) : () -> ()
    %mul3A_41 = arith.constant 640 : i32
    %mul3A_42 = arith.muli %arg1, %mul3A_41 : i32
    %add3A_43 = arith.constant 512 : i32
    %add3A_44 = arith.addi %mul3A_42, %add3A_43 : i32
    "tpu.region"() ({
      %run_scoped3A = tpu.sem_alloc : memref<!tpu.dma_semaphore, #tpu.memory_space<semaphore_mem>>
      %dma_start3A_83 = arith.constant 0 : i32
      %dma_start3A_84 = tpu.memref_slice %arg10[%add3A_44, %dma_start3A_83] : memref<10240x128xf32, #tpu.memory_space<vmem_shared>> -> memref<64x128xf32, #tpu.memory_space<vmem_shared>>
      %dma_start3A_85 = arith.constant 0 : i32
      %dma_start3A_86 = tpu.memref_slice %arg10[%add3A_44, %dma_start3A_85] : memref<10240x128xf32, #tpu.memory_space<vmem_shared>> -> memref<64x128xf32, #tpu.memory_space<vmem_shared>>
      tpu.enqueue_dma source(%arg6 : memref<64x128xf32, #tpu.memory_space<vmem>>) target(%dma_start3A_86 : memref<64x128xf32, #tpu.memory_space<vmem_shared>>) target_semaphore(%run_scoped3A : memref<!tpu.dma_semaphore, #tpu.memory_space<semaphore_mem>>)
      %dma_wait3A = arith.constant 0 : i32
      %dma_wait3A_87 = tpu.memref_slice %arg10[%add3A_44, %dma_wait3A] : memref<10240x128xf32, #tpu.memory_space<vmem_shared>> -> memref<64x128xf32, #tpu.memory_space<vmem_shared>>
      %dma_wait3A_88 = arith.constant 0 : i32
      %dma_wait3A_89 = tpu.memref_slice %arg10[%add3A_44, %dma_wait3A_88] : memref<10240x128xf32, #tpu.memory_space<vmem_shared>> -> memref<64x128xf32, #tpu.memory_space<vmem_shared>>
      tpu.wait_dma2 semaphore(%run_scoped3A : memref<!tpu.dma_semaphore, #tpu.memory_space<semaphore_mem>>) src(%arg6 : memref<64x128xf32, #tpu.memory_space<vmem>>) dst(%dma_wait3A_89 : memref<64x128xf32, #tpu.memory_space<vmem_shared>>)
      tpu.yield
    }) : () -> ()
    %mul3A_45 = arith.constant 640 : i32
    %mul3A_46 = arith.muli %arg1, %mul3A_45 : i32
    %add3A_47 = arith.constant 576 : i32
    %add3A_48 = arith.addi %mul3A_46, %add3A_47 : i32
    "tpu.region"() ({
      %run_scoped3A = tpu.sem_alloc : memref<!tpu.dma_semaphore, #tpu.memory_space<semaphore_mem>>
      %dma_start3A_83 = arith.constant 0 : i32
      %dma_start3A_84 = tpu.memref_slice %arg10[%add3A_48, %dma_start3A_83] : memref<10240x128xf32, #tpu.memory_space<vmem_shared>> -> memref<64x128xf32, #tpu.memory_space<vmem_shared>>
      %dma_start3A_85 = arith.constant 0 : i32
      %dma_start3A_86 = tpu.memref_slice %arg10[%add3A_48, %dma_start3A_85] : memref<10240x128xf32, #tpu.memory_space<vmem_shared>> -> memref<64x128xf32, #tpu.memory_space<vmem_shared>>
      tpu.enqueue_dma source(%arg6 : memref<64x128xf32, #tpu.memory_space<vmem>>) target(%dma_start3A_86 : memref<64x128xf32, #tpu.memory_space<vmem_shared>>) target_semaphore(%run_scoped3A : memref<!tpu.dma_semaphore, #tpu.memory_space<semaphore_mem>>)
      %dma_wait3A = arith.constant 0 : i32
      %dma_wait3A_87 = tpu.memref_slice %arg10[%add3A_48, %dma_wait3A] : memref<10240x128xf32, #tpu.memory_space<vmem_shared>> -> memref<64x128xf32, #tpu.memory_space<vmem_shared>>
      %dma_wait3A_88 = arith.constant 0 : i32
      %dma_wait3A_89 = tpu.memref_slice %arg10[%add3A_48, %dma_wait3A_88] : memref<10240x128xf32, #tpu.memory_space<vmem_shared>> -> memref<64x128xf32, #tpu.memory_space<vmem_shared>>
      tpu.wait_dma2 semaphore(%run_scoped3A : memref<!tpu.dma_semaphore, #tpu.memory_space<semaphore_mem>>) src(%arg6 : memref<64x128xf32, #tpu.memory_space<vmem>>) dst(%dma_wait3A_89 : memref<64x128xf32, #tpu.memory_space<vmem_shared>>)
      tpu.yield
    }) : () -> ()
    %barrier3A = arith.constant 0 : index
    tpu.barrier barrier_id(%barrier3A)
    "tpu.region"() ({
      %run_scoped3A = tpu.sem_alloc : memref<!tpu.dma_semaphore, #tpu.memory_space<semaphore_mem>>
      %dma_start3A_83 = arith.constant 0 : i32
      %dma_start3A_84 = arith.constant 0 : i32
      %dma_start3A_85 = tpu.memref_slice %arg3[%add3A, %dma_start3A_83, %dma_start3A_84] : memref<32x80x64xi32, #tpu.memory_space<hbm>> -> memref<1x80x64xi32, #tpu.memory_space<hbm>>
      %dma_start3A_86 = tpu.memref_squeeze %dma_start3A_85 : memref<1x80x64xi32, #tpu.memory_space<hbm>> -> memref<80x64xi32, #tpu.memory_space<hbm>>
      %dma_start3A_87 = arith.constant 0 : i32
      %dma_start3A_88 = arith.constant 0 : i32
      %dma_start3A_89 = tpu.memref_slice %arg3[%add3A, %dma_start3A_87, %dma_start3A_88] : memref<32x80x64xi32, #tpu.memory_space<hbm>> -> memref<1x80x64xi32, #tpu.memory_space<hbm>>
      %dma_start3A_90 = tpu.memref_squeeze %dma_start3A_89 : memref<1x80x64xi32, #tpu.memory_space<hbm>> -> memref<80x64xi32, #tpu.memory_space<hbm>>
      tpu.enqueue_dma source(%dma_start3A_90 : memref<80x64xi32, #tpu.memory_space<hbm>>) target(%arg5 : memref<80x64xi32, #tpu.memory_space<vmem>>) target_semaphore(%run_scoped3A : memref<!tpu.dma_semaphore, #tpu.memory_space<semaphore_mem>>)
      %dma_wait3A = arith.constant 0 : i32
      %dma_wait3A_91 = arith.constant 0 : i32
      %dma_wait3A_92 = tpu.memref_slice %arg3[%add3A, %dma_wait3A, %dma_wait3A_91] : memref<32x80x64xi32, #tpu.memory_space<hbm>> -> memref<1x80x64xi32, #tpu.memory_space<hbm>>
      %dma_wait3A_93 = tpu.memref_squeeze %dma_wait3A_92 : memref<1x80x64xi32, #tpu.memory_space<hbm>> -> memref<80x64xi32, #tpu.memory_space<hbm>>
      %dma_wait3A_94 = arith.constant 0 : i32
      %dma_wait3A_95 = arith.constant 0 : i32
      %dma_wait3A_96 = tpu.memref_slice %arg3[%add3A, %dma_wait3A_94, %dma_wait3A_95] : memref<32x80x64xi32, #tpu.memory_space<hbm>> -> memref<1x80x64xi32, #tpu.memory_space<hbm>>
      %dma_wait3A_97 = tpu.memref_squeeze %dma_wait3A_96 : memref<1x80x64xi32, #tpu.memory_space<hbm>> -> memref<80x64xi32, #tpu.memory_space<hbm>>
      tpu.wait_dma2 semaphore(%run_scoped3A : memref<!tpu.dma_semaphore, #tpu.memory_space<semaphore_mem>>) src(%dma_wait3A_97 : memref<80x64xi32, #tpu.memory_space<hbm>>) dst(%arg5 : memref<80x64xi32, #tpu.memory_space<vmem>>)
      tpu.yield
    }) : () -> ()
    %add3A_49 = arith.constant 0 : i32
    %add3A_50 = arith.addi %mul3A_2, %add3A_49 : i32
    %dma_start3A = arith.constant 0 : i32
    %dma_start3A_51 = tpu.memref_slice %arg2[%add3A_50, %dma_start3A] : memref<163840x128xf32, #tpu.memory_space<hbm>> -> memref<64x128xf32, #tpu.memory_space<hbm>>
    %dma_start3A_52 = arith.constant 0 : i32
    %dma_start3A_53 = tpu.memref_slice %arg2[%add3A_50, %dma_start3A_52] : memref<163840x128xf32, #tpu.memory_space<hbm>> -> memref<64x128xf32, #tpu.memory_space<hbm>>
    tpu.enqueue_dma source(%dma_start3A_53 : memref<64x128xf32, #tpu.memory_space<hbm>>) target(%arg6 : memref<64x128xf32, #tpu.memory_space<vmem>>) target_semaphore(%arg11 : memref<!tpu.dma_semaphore, #tpu.memory_space<semaphore_mem>>)
    %add3A_54 = arith.constant 64 : i32
    %add3A_55 = arith.addi %mul3A_2, %add3A_54 : i32
    %dma_start3A_56 = arith.constant 0 : i32
    %dma_start3A_57 = tpu.memref_slice %arg2[%add3A_55, %dma_start3A_56] : memref<163840x128xf32, #tpu.memory_space<hbm>> -> memref<64x128xf32, #tpu.memory_space<hbm>>
    %dma_start3A_58 = arith.constant 0 : i32
    %dma_start3A_59 = tpu.memref_slice %arg2[%add3A_55, %dma_start3A_58] : memref<163840x128xf32, #tpu.memory_space<hbm>> -> memref<64x128xf32, #tpu.memory_space<hbm>>
    tpu.enqueue_dma source(%dma_start3A_59 : memref<64x128xf32, #tpu.memory_space<hbm>>) target(%arg7 : memref<64x128xf32, #tpu.memory_space<vmem>>) target_semaphore(%arg12 : memref<!tpu.dma_semaphore, #tpu.memory_space<semaphore_mem>>)
    %add3A_60 = arith.constant 128 : i32
    %add3A_61 = arith.addi %mul3A_2, %add3A_60 : i32
    %dma_start3A_62 = arith.constant 0 : i32
    %dma_start3A_63 = tpu.memref_slice %arg2[%add3A_61, %dma_start3A_62] : memref<163840x128xf32, #tpu.memory_space<hbm>> -> memref<64x128xf32, #tpu.memory_space<hbm>>
    %dma_start3A_64 = arith.constant 0 : i32
    %dma_start3A_65 = tpu.memref_slice %arg2[%add3A_61, %dma_start3A_64] : memref<163840x128xf32, #tpu.memory_space<hbm>> -> memref<64x128xf32, #tpu.memory_space<hbm>>
    tpu.enqueue_dma source(%dma_start3A_65 : memref<64x128xf32, #tpu.memory_space<hbm>>) target(%arg8 : memref<64x128xf32, #tpu.memory_space<vmem>>) target_semaphore(%arg13 : memref<!tpu.dma_semaphore, #tpu.memory_space<semaphore_mem>>)
    %add3A_66 = arith.constant 192 : i32
    %add3A_67 = arith.addi %mul3A_2, %add3A_66 : i32
    %dma_start3A_68 = arith.constant 0 : i32
    %dma_start3A_69 = tpu.memref_slice %arg2[%add3A_67, %dma_start3A_68] : memref<163840x128xf32, #tpu.memory_space<hbm>> -> memref<64x128xf32, #tpu.memory_space<hbm>>
    %dma_start3A_70 = arith.constant 0 : i32
    %dma_start3A_71 = tpu.memref_slice %arg2[%add3A_67, %dma_start3A_70] : memref<163840x128xf32, #tpu.memory_space<hbm>> -> memref<64x128xf32, #tpu.memory_space<hbm>>
    tpu.enqueue_dma source(%dma_start3A_71 : memref<64x128xf32, #tpu.memory_space<hbm>>) target(%arg9 : memref<64x128xf32, #tpu.memory_space<vmem>>) target_semaphore(%arg14 : memref<!tpu.dma_semaphore, #tpu.memory_space<semaphore_mem>>)
    %scan3A_72 = arith.constant 0 : i32
    %scan3A_73 = arith.constant 0 : i32
    %scan3A_74 = arith.constant 20 : i32
    %scan3A_75 = arith.addi %scan3A_73, %scan3A_74 : i32
    %scan3A_76 = arith.constant 1 : i32
    scf.for %scan3A_83 = %scan3A_73 to %scan3A_75 step %scan3A_76  : i32 {
      %mul3A_84 = arith.constant 4 : i32
      %mul3A_85 = arith.muli %scan3A_83, %mul3A_84 : i32
      %add3A_86 = arith.constant 0 : i32
      %add3A_87 = arith.addi %mul3A_85, %add3A_86 : i32
      %mul3A_88 = arith.constant 64 : i32
      %mul3A_89 = arith.muli %add3A_87, %mul3A_88 : i32
      %add3A_90 = arith.addi %mul3A_2, %mul3A_89 : i32
      %dma_wait3A = arith.constant 0 : i32
      %dma_wait3A_91 = tpu.memref_slice %arg2[%add3A_90, %dma_wait3A] : memref<163840x128xf32, #tpu.memory_space<hbm>> -> memref<64x128xf32, #tpu.memory_space<hbm>>
      %dma_wait3A_92 = arith.constant 0 : i32
      %dma_wait3A_93 = tpu.memref_slice %arg2[%add3A_90, %dma_wait3A_92] : memref<163840x128xf32, #tpu.memory_space<hbm>> -> memref<64x128xf32, #tpu.memory_space<hbm>>
      tpu.wait_dma2 semaphore(%arg11 : memref<!tpu.dma_semaphore, #tpu.memory_space<semaphore_mem>>) src(%dma_wait3A_93 : memref<64x128xf32, #tpu.memory_space<hbm>>) dst(%arg6 : memref<64x128xf32, #tpu.memory_space<vmem>>)
      "tpu.region"() ({
        %run_scoped3A = tpu.sem_alloc : memref<!tpu.dma_semaphore, #tpu.memory_space<semaphore_mem>>
        %dma_start3A_144 = arith.constant 0 : i32
        %dma_start3A_145 = tpu.memref_slice %arg5[%add3A_87, %dma_start3A_144] : memref<80x64xi32, #tpu.memory_space<vmem>> -> memref<1x64xi32, #tpu.memory_space<vmem>>
        %dma_start3A_146 = tpu.memref_squeeze %dma_start3A_145 : memref<1x64xi32, #tpu.memory_space<vmem>> -> memref<64xi32, #tpu.memory_space<vmem>>
        %dma_start3A_147 = arith.constant 0 : i32
        %dma_start3A_148 = arith.constant 0 : i32
        %dma_start3A_149 = tpu.memref_slice %arg10[%dma_start3A_147, %dma_start3A_148] : memref<10240x128xf32, #tpu.memory_space<vmem_shared>> -> memref<10240x128xf32, #tpu.memory_space<vmem_shared>>
        tpu.enqueue_indirect_dma source(%arg6 : memref<64x128xf32, #tpu.memory_space<vmem>>) target(%dma_start3A_149 : memref<10240x128xf32, #tpu.memory_space<vmem_shared>>) offsets(%dma_start3A_146 : memref<64xi32, #tpu.memory_space<vmem>>) semaphore(%run_scoped3A : memref<!tpu.dma_semaphore, #tpu.memory_space<semaphore_mem>>) {add = true}
        %dma_wait3A_150 = arith.constant 0 : i32
        %dma_wait3A_151 = tpu.memref_slice %arg5[%add3A_87, %dma_wait3A_150] : memref<80x64xi32, #tpu.memory_space<vmem>> -> memref<1x64xi32, #tpu.memory_space<vmem>>
        %dma_wait3A_152 = tpu.memref_squeeze %dma_wait3A_151 : memref<1x64xi32, #tpu.memory_space<vmem>> -> memref<64xi32, #tpu.memory_space<vmem>>
        %dma_wait3A_153 = arith.constant 0 : i32
        %dma_wait3A_154 = arith.constant 0 : i32
        %dma_wait3A_155 = tpu.memref_slice %arg10[%dma_wait3A_153, %dma_wait3A_154] : memref<10240x128xf32, #tpu.memory_space<vmem_shared>> -> memref<10240x128xf32, #tpu.memory_space<vmem_shared>>
        tpu.wait_indirect_dma semaphore(%run_scoped3A : memref<!tpu.dma_semaphore, #tpu.memory_space<semaphore_mem>>) src(%arg6 : memref<64x128xf32, #tpu.memory_space<vmem>>) dst(%dma_wait3A_155 : memref<10240x128xf32, #tpu.memory_space<vmem_shared>>)
        tpu.yield
      }) : () -> ()
      %lt3A = arith.constant 19 : i32
      %lt3A_94 = arith.cmpi slt, %scan3A_83, %lt3A : i32
      %convert_element_type3A = arith.extui %lt3A_94 : i1 to i32
      %cond3A = arith.constant 0 : i32
      %cond3A_95 = arith.cmpi ne, %convert_element_type3A, %cond3A : i32
      scf.if %cond3A_95 {
        %add3A_144 = arith.constant 4 : i32
        %add3A_145 = arith.addi %add3A_87, %add3A_144 : i32
        %mul3A_146 = arith.constant 64 : i32
        %mul3A_147 = arith.muli %add3A_145, %mul3A_146 : i32
        %add3A_148 = arith.addi %mul3A_2, %mul3A_147 : i32
        %dma_start3A_149 = arith.constant 0 : i32
        %dma_start3A_150 = tpu.memref_slice %arg2[%add3A_148, %dma_start3A_149] : memref<163840x128xf32, #tpu.memory_space<hbm>> -> memref<64x128xf32, #tpu.memory_space<hbm>>
        %dma_start3A_151 = arith.constant 0 : i32
        %dma_start3A_152 = tpu.memref_slice %arg2[%add3A_148, %dma_start3A_151] : memref<163840x128xf32, #tpu.memory_space<hbm>> -> memref<64x128xf32, #tpu.memory_space<hbm>>
        tpu.enqueue_dma source(%dma_start3A_152 : memref<64x128xf32, #tpu.memory_space<hbm>>) target(%arg6 : memref<64x128xf32, #tpu.memory_space<vmem>>) target_semaphore(%arg11 : memref<!tpu.dma_semaphore, #tpu.memory_space<semaphore_mem>>)
      } else {
      }
      %mul3A_96 = arith.constant 4 : i32
      %mul3A_97 = arith.muli %scan3A_83, %mul3A_96 : i32
      %add3A_98 = arith.constant 1 : i32
      %add3A_99 = arith.addi %mul3A_97, %add3A_98 : i32
      %mul3A_100 = arith.constant 64 : i32
      %mul3A_101 = arith.muli %add3A_99, %mul3A_100 : i32
      %add3A_102 = arith.addi %mul3A_2, %mul3A_101 : i32
      %dma_wait3A_103 = arith.constant 0 : i32
      %dma_wait3A_104 = tpu.memref_slice %arg2[%add3A_102, %dma_wait3A_103] : memref<163840x128xf32, #tpu.memory_space<hbm>> -> memref<64x128xf32, #tpu.memory_space<hbm>>
      %dma_wait3A_105 = arith.constant 0 : i32
      %dma_wait3A_106 = tpu.memref_slice %arg2[%add3A_102, %dma_wait3A_105] : memref<163840x128xf32, #tpu.memory_space<hbm>> -> memref<64x128xf32, #tpu.memory_space<hbm>>
      tpu.wait_dma2 semaphore(%arg12 : memref<!tpu.dma_semaphore, #tpu.memory_space<semaphore_mem>>) src(%dma_wait3A_106 : memref<64x128xf32, #tpu.memory_space<hbm>>) dst(%arg7 : memref<64x128xf32, #tpu.memory_space<vmem>>)
      "tpu.region"() ({
        %run_scoped3A = tpu.sem_alloc : memref<!tpu.dma_semaphore, #tpu.memory_space<semaphore_mem>>
        %dma_start3A_144 = arith.constant 0 : i32
        %dma_start3A_145 = tpu.memref_slice %arg5[%add3A_99, %dma_start3A_144] : memref<80x64xi32, #tpu.memory_space<vmem>> -> memref<1x64xi32, #tpu.memory_space<vmem>>
        %dma_start3A_146 = tpu.memref_squeeze %dma_start3A_145 : memref<1x64xi32, #tpu.memory_space<vmem>> -> memref<64xi32, #tpu.memory_space<vmem>>
        %dma_start3A_147 = arith.constant 0 : i32
        %dma_start3A_148 = arith.constant 0 : i32
        %dma_start3A_149 = tpu.memref_slice %arg10[%dma_start3A_147, %dma_start3A_148] : memref<10240x128xf32, #tpu.memory_space<vmem_shared>> -> memref<10240x128xf32, #tpu.memory_space<vmem_shared>>
        tpu.enqueue_indirect_dma source(%arg7 : memref<64x128xf32, #tpu.memory_space<vmem>>) target(%dma_start3A_149 : memref<10240x128xf32, #tpu.memory_space<vmem_shared>>) offsets(%dma_start3A_146 : memref<64xi32, #tpu.memory_space<vmem>>) semaphore(%run_scoped3A : memref<!tpu.dma_semaphore, #tpu.memory_space<semaphore_mem>>) {add = true}
        %dma_wait3A_150 = arith.constant 0 : i32
        %dma_wait3A_151 = tpu.memref_slice %arg5[%add3A_99, %dma_wait3A_150] : memref<80x64xi32, #tpu.memory_space<vmem>> -> memref<1x64xi32, #tpu.memory_space<vmem>>
        %dma_wait3A_152 = tpu.memref_squeeze %dma_wait3A_151 : memref<1x64xi32, #tpu.memory_space<vmem>> -> memref<64xi32, #tpu.memory_space<vmem>>
        %dma_wait3A_153 = arith.constant 0 : i32
        %dma_wait3A_154 = arith.constant 0 : i32
        %dma_wait3A_155 = tpu.memref_slice %arg10[%dma_wait3A_153, %dma_wait3A_154] : memref<10240x128xf32, #tpu.memory_space<vmem_shared>> -> memref<10240x128xf32, #tpu.memory_space<vmem_shared>>
        tpu.wait_indirect_dma semaphore(%run_scoped3A : memref<!tpu.dma_semaphore, #tpu.memory_space<semaphore_mem>>) src(%arg7 : memref<64x128xf32, #tpu.memory_space<vmem>>) dst(%dma_wait3A_155 : memref<10240x128xf32, #tpu.memory_space<vmem_shared>>)
        tpu.yield
      }) : () -> ()
      %lt3A_107 = arith.constant 19 : i32
      %lt3A_108 = arith.cmpi slt, %scan3A_83, %lt3A_107 : i32
      %convert_element_type3A_109 = arith.extui %lt3A_108 : i1 to i32
      %cond3A_110 = arith.constant 0 : i32
      %cond3A_111 = arith.cmpi ne, %convert_element_type3A_109, %cond3A_110 : i32
      scf.if %cond3A_111 {
        %add3A_144 = arith.constant 4 : i32
        %add3A_145 = arith.addi %add3A_99, %add3A_144 : i32
        %mul3A_146 = arith.constant 64 : i32
        %mul3A_147 = arith.muli %add3A_145, %mul3A_146 : i32
        %add3A_148 = arith.addi %mul3A_2, %mul3A_147 : i32
        %dma_start3A_149 = arith.constant 0 : i32
        %dma_start3A_150 = tpu.memref_slice %arg2[%add3A_148, %dma_start3A_149] : memref<163840x128xf32, #tpu.memory_space<hbm>> -> memref<64x128xf32, #tpu.memory_space<hbm>>
        %dma_start3A_151 = arith.constant 0 : i32
        %dma_start3A_152 = tpu.memref_slice %arg2[%add3A_148, %dma_start3A_151] : memref<163840x128xf32, #tpu.memory_space<hbm>> -> memref<64x128xf32, #tpu.memory_space<hbm>>
        tpu.enqueue_dma source(%dma_start3A_152 : memref<64x128xf32, #tpu.memory_space<hbm>>) target(%arg7 : memref<64x128xf32, #tpu.memory_space<vmem>>) target_semaphore(%arg12 : memref<!tpu.dma_semaphore, #tpu.memory_space<semaphore_mem>>)
      } else {
      }
      %mul3A_112 = arith.constant 4 : i32
      %mul3A_113 = arith.muli %scan3A_83, %mul3A_112 : i32
      %add3A_114 = arith.constant 2 : i32
      %add3A_115 = arith.addi %mul3A_113, %add3A_114 : i32
      %mul3A_116 = arith.constant 64 : i32
      %mul3A_117 = arith.muli %add3A_115, %mul3A_116 : i32
      %add3A_118 = arith.addi %mul3A_2, %mul3A_117 : i32
      %dma_wait3A_119 = arith.constant 0 : i32
      %dma_wait3A_120 = tpu.memref_slice %arg2[%add3A_118, %dma_wait3A_119] : memref<163840x128xf32, #tpu.memory_space<hbm>> -> memref<64x128xf32, #tpu.memory_space<hbm>>
      %dma_wait3A_121 = arith.constant 0 : i32
      %dma_wait3A_122 = tpu.memref_slice %arg2[%add3A_118, %dma_wait3A_121] : memref<163840x128xf32, #tpu.memory_space<hbm>> -> memref<64x128xf32, #tpu.memory_space<hbm>>
      tpu.wait_dma2 semaphore(%arg13 : memref<!tpu.dma_semaphore, #tpu.memory_space<semaphore_mem>>) src(%dma_wait3A_122 : memref<64x128xf32, #tpu.memory_space<hbm>>) dst(%arg8 : memref<64x128xf32, #tpu.memory_space<vmem>>)
      "tpu.region"() ({
        %run_scoped3A = tpu.sem_alloc : memref<!tpu.dma_semaphore, #tpu.memory_space<semaphore_mem>>
        %dma_start3A_144 = arith.constant 0 : i32
        %dma_start3A_145 = tpu.memref_slice %arg5[%add3A_115, %dma_start3A_144] : memref<80x64xi32, #tpu.memory_space<vmem>> -> memref<1x64xi32, #tpu.memory_space<vmem>>
        %dma_start3A_146 = tpu.memref_squeeze %dma_start3A_145 : memref<1x64xi32, #tpu.memory_space<vmem>> -> memref<64xi32, #tpu.memory_space<vmem>>
        %dma_start3A_147 = arith.constant 0 : i32
        %dma_start3A_148 = arith.constant 0 : i32
        %dma_start3A_149 = tpu.memref_slice %arg10[%dma_start3A_147, %dma_start3A_148] : memref<10240x128xf32, #tpu.memory_space<vmem_shared>> -> memref<10240x128xf32, #tpu.memory_space<vmem_shared>>
        tpu.enqueue_indirect_dma source(%arg8 : memref<64x128xf32, #tpu.memory_space<vmem>>) target(%dma_start3A_149 : memref<10240x128xf32, #tpu.memory_space<vmem_shared>>) offsets(%dma_start3A_146 : memref<64xi32, #tpu.memory_space<vmem>>) semaphore(%run_scoped3A : memref<!tpu.dma_semaphore, #tpu.memory_space<semaphore_mem>>) {add = true}
        %dma_wait3A_150 = arith.constant 0 : i32
        %dma_wait3A_151 = tpu.memref_slice %arg5[%add3A_115, %dma_wait3A_150] : memref<80x64xi32, #tpu.memory_space<vmem>> -> memref<1x64xi32, #tpu.memory_space<vmem>>
        %dma_wait3A_152 = tpu.memref_squeeze %dma_wait3A_151 : memref<1x64xi32, #tpu.memory_space<vmem>> -> memref<64xi32, #tpu.memory_space<vmem>>
        %dma_wait3A_153 = arith.constant 0 : i32
        %dma_wait3A_154 = arith.constant 0 : i32
        %dma_wait3A_155 = tpu.memref_slice %arg10[%dma_wait3A_153, %dma_wait3A_154] : memref<10240x128xf32, #tpu.memory_space<vmem_shared>> -> memref<10240x128xf32, #tpu.memory_space<vmem_shared>>
        tpu.wait_indirect_dma semaphore(%run_scoped3A : memref<!tpu.dma_semaphore, #tpu.memory_space<semaphore_mem>>) src(%arg8 : memref<64x128xf32, #tpu.memory_space<vmem>>) dst(%dma_wait3A_155 : memref<10240x128xf32, #tpu.memory_space<vmem_shared>>)
        tpu.yield
      }) : () -> ()
      %lt3A_123 = arith.constant 19 : i32
      %lt3A_124 = arith.cmpi slt, %scan3A_83, %lt3A_123 : i32
      %convert_element_type3A_125 = arith.extui %lt3A_124 : i1 to i32
      %cond3A_126 = arith.constant 0 : i32
      %cond3A_127 = arith.cmpi ne, %convert_element_type3A_125, %cond3A_126 : i32
      scf.if %cond3A_127 {
        %add3A_144 = arith.constant 4 : i32
        %add3A_145 = arith.addi %add3A_115, %add3A_144 : i32
        %mul3A_146 = arith.constant 64 : i32
        %mul3A_147 = arith.muli %add3A_145, %mul3A_146 : i32
        %add3A_148 = arith.addi %mul3A_2, %mul3A_147 : i32
        %dma_start3A_149 = arith.constant 0 : i32
        %dma_start3A_150 = tpu.memref_slice %arg2[%add3A_148, %dma_start3A_149] : memref<163840x128xf32, #tpu.memory_space<hbm>> -> memref<64x128xf32, #tpu.memory_space<hbm>>
        %dma_start3A_151 = arith.constant 0 : i32
        %dma_start3A_152 = tpu.memref_slice %arg2[%add3A_148, %dma_start3A_151] : memref<163840x128xf32, #tpu.memory_space<hbm>> -> memref<64x128xf32, #tpu.memory_space<hbm>>
        tpu.enqueue_dma source(%dma_start3A_152 : memref<64x128xf32, #tpu.memory_space<hbm>>) target(%arg8 : memref<64x128xf32, #tpu.memory_space<vmem>>) target_semaphore(%arg13 : memref<!tpu.dma_semaphore, #tpu.memory_space<semaphore_mem>>)
      } else {
      }
      %mul3A_128 = arith.constant 4 : i32
      %mul3A_129 = arith.muli %scan3A_83, %mul3A_128 : i32
      %add3A_130 = arith.constant 3 : i32
      %add3A_131 = arith.addi %mul3A_129, %add3A_130 : i32
      %mul3A_132 = arith.constant 64 : i32
      %mul3A_133 = arith.muli %add3A_131, %mul3A_132 : i32
      %add3A_134 = arith.addi %mul3A_2, %mul3A_133 : i32
      %dma_wait3A_135 = arith.constant 0 : i32
      %dma_wait3A_136 = tpu.memref_slice %arg2[%add3A_134, %dma_wait3A_135] : memref<163840x128xf32, #tpu.memory_space<hbm>> -> memref<64x128xf32, #tpu.memory_space<hbm>>
      %dma_wait3A_137 = arith.constant 0 : i32
      %dma_wait3A_138 = tpu.memref_slice %arg2[%add3A_134, %dma_wait3A_137] : memref<163840x128xf32, #tpu.memory_space<hbm>> -> memref<64x128xf32, #tpu.memory_space<hbm>>
      tpu.wait_dma2 semaphore(%arg14 : memref<!tpu.dma_semaphore, #tpu.memory_space<semaphore_mem>>) src(%dma_wait3A_138 : memref<64x128xf32, #tpu.memory_space<hbm>>) dst(%arg9 : memref<64x128xf32, #tpu.memory_space<vmem>>)
      "tpu.region"() ({
        %run_scoped3A = tpu.sem_alloc : memref<!tpu.dma_semaphore, #tpu.memory_space<semaphore_mem>>
        %dma_start3A_144 = arith.constant 0 : i32
        %dma_start3A_145 = tpu.memref_slice %arg5[%add3A_131, %dma_start3A_144] : memref<80x64xi32, #tpu.memory_space<vmem>> -> memref<1x64xi32, #tpu.memory_space<vmem>>
        %dma_start3A_146 = tpu.memref_squeeze %dma_start3A_145 : memref<1x64xi32, #tpu.memory_space<vmem>> -> memref<64xi32, #tpu.memory_space<vmem>>
        %dma_start3A_147 = arith.constant 0 : i32
        %dma_start3A_148 = arith.constant 0 : i32
        %dma_start3A_149 = tpu.memref_slice %arg10[%dma_start3A_147, %dma_start3A_148] : memref<10240x128xf32, #tpu.memory_space<vmem_shared>> -> memref<10240x128xf32, #tpu.memory_space<vmem_shared>>
        tpu.enqueue_indirect_dma source(%arg9 : memref<64x128xf32, #tpu.memory_space<vmem>>) target(%dma_start3A_149 : memref<10240x128xf32, #tpu.memory_space<vmem_shared>>) offsets(%dma_start3A_146 : memref<64xi32, #tpu.memory_space<vmem>>) semaphore(%run_scoped3A : memref<!tpu.dma_semaphore, #tpu.memory_space<semaphore_mem>>) {add = true}
        %dma_wait3A_150 = arith.constant 0 : i32
        %dma_wait3A_151 = tpu.memref_slice %arg5[%add3A_131, %dma_wait3A_150] : memref<80x64xi32, #tpu.memory_space<vmem>> -> memref<1x64xi32, #tpu.memory_space<vmem>>
        %dma_wait3A_152 = tpu.memref_squeeze %dma_wait3A_151 : memref<1x64xi32, #tpu.memory_space<vmem>> -> memref<64xi32, #tpu.memory_space<vmem>>
        %dma_wait3A_153 = arith.constant 0 : i32
        %dma_wait3A_154 = arith.constant 0 : i32
        %dma_wait3A_155 = tpu.memref_slice %arg10[%dma_wait3A_153, %dma_wait3A_154] : memref<10240x128xf32, #tpu.memory_space<vmem_shared>> -> memref<10240x128xf32, #tpu.memory_space<vmem_shared>>
        tpu.wait_indirect_dma semaphore(%run_scoped3A : memref<!tpu.dma_semaphore, #tpu.memory_space<semaphore_mem>>) src(%arg9 : memref<64x128xf32, #tpu.memory_space<vmem>>) dst(%dma_wait3A_155 : memref<10240x128xf32, #tpu.memory_space<vmem_shared>>)
        tpu.yield
      }) : () -> ()
      %lt3A_139 = arith.constant 19 : i32
      %lt3A_140 = arith.cmpi slt, %scan3A_83, %lt3A_139 : i32
      %convert_element_type3A_141 = arith.extui %lt3A_140 : i1 to i32
      %cond3A_142 = arith.constant 0 : i32
      %cond3A_143 = arith.cmpi ne, %convert_element_type3A_141, %cond3A_142 : i32
      scf.if %cond3A_143 {
        %add3A_144 = arith.constant 4 : i32
        %add3A_145 = arith.addi %add3A_131, %add3A_144 : i32
        %mul3A_146 = arith.constant 64 : i32
        %mul3A_147 = arith.muli %add3A_145, %mul3A_146 : i32
        %add3A_148 = arith.addi %mul3A_2, %mul3A_147 : i32
        %dma_start3A_149 = arith.constant 0 : i32
        %dma_start3A_150 = tpu.memref_slice %arg2[%add3A_148, %dma_start3A_149] : memref<163840x128xf32, #tpu.memory_space<hbm>> -> memref<64x128xf32, #tpu.memory_space<hbm>>
        %dma_start3A_151 = arith.constant 0 : i32
        %dma_start3A_152 = tpu.memref_slice %arg2[%add3A_148, %dma_start3A_151] : memref<163840x128xf32, #tpu.memory_space<hbm>> -> memref<64x128xf32, #tpu.memory_space<hbm>>
        tpu.enqueue_dma source(%dma_start3A_152 : memref<64x128xf32, #tpu.memory_space<hbm>>) target(%arg9 : memref<64x128xf32, #tpu.memory_space<vmem>>) target_semaphore(%arg14 : memref<!tpu.dma_semaphore, #tpu.memory_space<semaphore_mem>>)
      } else {
      }
    }
    %scan3A_77 = arith.constant 20 : i32
    %barrier3A_78 = arith.constant 0 : index
    tpu.barrier barrier_id(%barrier3A_78)
    %mul3A_79 = arith.constant 625 : i32
    %mul3A_80 = arith.muli %arg1, %mul3A_79 : i32
    %mul3A_81 = arith.constant 625 : i32
    %mul3A_82 = arith.muli %arg1, %mul3A_81 : i32
    "tpu.region"() ({
      %run_scoped3A = tpu.sem_alloc : memref<!tpu.dma_semaphore, #tpu.memory_space<semaphore_mem>>
      %dma_start3A_83 = arith.constant 0 : i32
      %dma_start3A_84 = tpu.memref_slice %arg4[%arg0, %mul3A_82, %dma_start3A_83] : memref<2x10000x128xf32, #tpu.memory_space<hbm>> -> memref<1x625x128xf32, #tpu.memory_space<hbm>>
      %dma_start3A_85 = tpu.memref_squeeze %dma_start3A_84 : memref<1x625x128xf32, #tpu.memory_space<hbm>> -> memref<625x128xf32, #tpu.memory_space<hbm>>
      %dma_start3A_86 = arith.constant 0 : i32
      %dma_start3A_87 = tpu.memref_slice %arg10[%mul3A_80, %dma_start3A_86] : memref<10240x128xf32, #tpu.memory_space<vmem_shared>> -> memref<625x128xf32, #tpu.memory_space<vmem_shared>>
      tpu.enqueue_dma source(%dma_start3A_87 : memref<625x128xf32, #tpu.memory_space<vmem_shared>>) target(%dma_start3A_85 : memref<625x128xf32, #tpu.memory_space<hbm>>) target_semaphore(%run_scoped3A : memref<!tpu.dma_semaphore, #tpu.memory_space<semaphore_mem>>)
      %dma_wait3A = arith.constant 0 : i32
      %dma_wait3A_88 = tpu.memref_slice %arg4[%arg0, %mul3A_82, %dma_wait3A] : memref<2x10000x128xf32, #tpu.memory_space<hbm>> -> memref<1x625x128xf32, #tpu.memory_space<hbm>>
      %dma_wait3A_89 = tpu.memref_squeeze %dma_wait3A_88 : memref<1x625x128xf32, #tpu.memory_space<hbm>> -> memref<625x128xf32, #tpu.memory_space<hbm>>
      %dma_wait3A_90 = arith.constant 0 : i32
      %dma_wait3A_91 = tpu.memref_slice %arg10[%mul3A_80, %dma_wait3A_90] : memref<10240x128xf32, #tpu.memory_space<vmem_shared>> -> memref<625x128xf32, #tpu.memory_space<vmem_shared>>
      tpu.wait_dma2 semaphore(%run_scoped3A : memref<!tpu.dma_semaphore, #tpu.memory_space<semaphore_mem>>) src(%dma_wait3A_91 : memref<625x128xf32, #tpu.memory_space<vmem_shared>>) dst(%dma_wait3A_89 : memref<625x128xf32, #tpu.memory_space<hbm>>)
      tpu.yield
    }) : () -> ()
    return
  }
}

module attributes {stable_mosaic.version = 14 : i64} {
  func.func @_msg_kernel(%arg0: i32, %arg1: memref<6x3200xf32, #tpu.memory_space<vmem>>, %arg2: memref<3200x16xf32, #tpu.memory_space<vmem>>, %arg3: memref<6x128xf32, #tpu.memory_space<vmem>>, %arg4: memref<1x128xf32, #tpu.memory_space<vmem>>, %arg5: memref<896x128xbf16, #tpu.memory_space<vmem>>, %arg6: memref<16x128xf32, #tpu.memory_space<vmem>>, %arg7: memref<3200x128xf32, #tpu.memory_space<vmem>>) attributes {dimension_semantics = [#tpu.dimension_semantics<arbitrary>], iteration_bounds = array<i64: 50>, scalar_prefetch = 0 : i64, scratch_operands = 0 : i64, tpu.core_type = #tpu.core_type<tc>, window_params = [{transform_indices = @transform_0, window_bounds = array<i64: 6, 3200>}, {transform_indices = @transform_1, window_bounds = array<i64: 3200, 16>}, {pipeline_mode = #tpu.pipeline_mode<synchronous>, transform_indices = @transform_2, window_bounds = array<i64: 6, 128>}, {pipeline_mode = #tpu.pipeline_mode<synchronous>, transform_indices = @transform_3, window_bounds = array<i64: 1, 128>}, {pipeline_mode = #tpu.pipeline_mode<synchronous>, transform_indices = @transform_4, window_bounds = array<i64: 896, 128>}, {pipeline_mode = #tpu.pipeline_mode<synchronous>, transform_indices = @transform_5, window_bounds = array<i64: 16, 128>}, {transform_indices = @transform_6, window_bounds = array<i64: 3200, 128>}]} {
    %get3A = arith.constant 0 : index
    %get3A_0 = arith.constant 0 : index
    %get3A_1 = vector.load %arg1[%get3A, %get3A_0] : memref<6x3200xf32, #tpu.memory_space<vmem>>, vector<6x3200xf32>
    %get3A_2 = arith.constant 0 : index
    %get3A_3 = arith.constant 0 : index
    %get3A_4 = vector.load %arg3[%get3A_2, %get3A_3] : memref<6x128xf32, #tpu.memory_space<vmem>>, vector<6x128xf32>
    %dot_general3A = arith.constant dense<0.000000e+00> : vector<128x3200xf32>
    %dot_general3A_5 = tpu.matmul %get3A_4, %get3A_1, %dot_general3A {dimension_numbers = #tpu.dot_dimension_numbers<[0], [0], [1], [1], [0, 1, 1, 1], [], []>, transpose_lhs_hint = false} : vector<6x128xf32>, vector<6x3200xf32>, vector<128x3200xf32> -> vector<128x3200xf32>
    %iota3A = tpu.iota {dimensions = array<i32: 0>} : vector<128x128xi32>
    %iota3A_6 = tpu.iota {dimensions = array<i32: 1>} : vector<128x128xi32>
    %eq3A = arith.cmpi eq, %iota3A, %iota3A_6 : vector<128x128xi32>
    %convert_element_type3A = arith.extui %eq3A : vector<128x128xi1> to vector<128x128xi32>
    %convert_element_type3A_7 = arith.sitofp %convert_element_type3A : vector<128x128xi32> to vector<128x128xf32>
    %dot_general3A_8 = arith.constant dense<0.000000e+00> : vector<3200x128xf32>
    %dot_general3A_9 = tpu.matmul %dot_general3A_5, %convert_element_type3A_7, %dot_general3A_8 {dimension_numbers = #tpu.dot_dimension_numbers<[0], [0], [1], [1], [0, 1, 1, 1], [], []>, transpose_lhs_hint = false} : vector<128x3200xf32>, vector<128x128xf32>, vector<3200x128xf32> -> vector<3200x128xf32>
    %get3A_10 = arith.constant 0 : index
    %get3A_11 = arith.constant 0 : index
    %get3A_12 = vector.load %arg4[%get3A_10, %get3A_11] : memref<1x128xf32, #tpu.memory_space<vmem>>, vector<1x128xf32>
    %add3A = vector.broadcast %get3A_12 : vector<1x128xf32> to vector<3200x128xf32>
    %add3A_13 = arith.addf %dot_general3A_9, %add3A : vector<3200x128xf32>
    %mul3A = arith.constant 5.000000e-01 : f32
    %mul3A_14 = vector.broadcast %mul3A : f32 to vector<3200x128xf32>
    %mul3A_15 = arith.mulf %mul3A_14, %add3A_13 : vector<3200x128xf32>
    %mul3A_16 = arith.constant 0.707106769 : f32
    %mul3A_17 = vector.broadcast %mul3A_16 : f32 to vector<3200x128xf32>
    %mul3A_18 = arith.mulf %add3A_13, %mul3A_17 : vector<3200x128xf32>
    %erf3A = math.erf %mul3A_18 : vector<3200x128xf32>
    %add3A_19 = arith.constant 1.000000e+00 : f32
    %add3A_20 = vector.broadcast %add3A_19 : f32 to vector<3200x128xf32>
    %add3A_21 = arith.addf %add3A_20, %erf3A : vector<3200x128xf32>
    %mul3A_22 = arith.mulf %mul3A_15, %add3A_21 : vector<3200x128xf32>
    %convert_element_type3A_23 = arith.truncf %mul3A_22 : vector<3200x128xf32> to vector<3200x128xbf16>
    %get3A_24 = arith.constant 0 : index
    %get3A_25 = arith.constant 0 : index
    %get3A_26 = vector.load %arg2[%get3A_24, %get3A_25] : memref<3200x16xf32, #tpu.memory_space<vmem>>, vector<3200x16xf32>
    %convert_element_type3A_27 = arith.truncf %get3A_26 : vector<3200x16xf32> to vector<3200x16xbf16>
    %slice3A = vector.extract_strided_slice %convert_element_type3A_27 {offsets = [0, 0], sizes = [3200, 1], strides = [1, 1]} : vector<3200x16xbf16> to vector<3200x1xbf16>
    %mul3A_28 = vector.broadcast %slice3A : vector<3200x1xbf16> to vector<3200x128xbf16>
    %mul3A_29 = arith.mulf %mul3A_28, %convert_element_type3A_23 : vector<3200x128xbf16>
    %slice3A_30 = vector.extract_strided_slice %convert_element_type3A_27 {offsets = [0, 1], sizes = [3200, 1], strides = [1, 1]} : vector<3200x16xbf16> to vector<3200x1xbf16>
    %mul3A_31 = vector.broadcast %slice3A_30 : vector<3200x1xbf16> to vector<3200x128xbf16>
    %mul3A_32 = arith.mulf %mul3A_31, %convert_element_type3A_23 : vector<3200x128xbf16>
    %slice3A_33 = vector.extract_strided_slice %convert_element_type3A_27 {offsets = [0, 2], sizes = [3200, 1], strides = [1, 1]} : vector<3200x16xbf16> to vector<3200x1xbf16>
    %mul3A_34 = vector.broadcast %slice3A_33 : vector<3200x1xbf16> to vector<3200x128xbf16>
    %mul3A_35 = arith.mulf %mul3A_34, %convert_element_type3A_23 : vector<3200x128xbf16>
    %slice3A_36 = vector.extract_strided_slice %convert_element_type3A_27 {offsets = [0, 3], sizes = [3200, 1], strides = [1, 1]} : vector<3200x16xbf16> to vector<3200x1xbf16>
    %mul3A_37 = vector.broadcast %slice3A_36 : vector<3200x1xbf16> to vector<3200x128xbf16>
    %mul3A_38 = arith.mulf %mul3A_37, %convert_element_type3A_23 : vector<3200x128xbf16>
    %slice3A_39 = vector.extract_strided_slice %convert_element_type3A_27 {offsets = [0, 4], sizes = [3200, 1], strides = [1, 1]} : vector<3200x16xbf16> to vector<3200x1xbf16>
    %mul3A_40 = vector.broadcast %slice3A_39 : vector<3200x1xbf16> to vector<3200x128xbf16>
    %mul3A_41 = arith.mulf %mul3A_40, %convert_element_type3A_23 : vector<3200x128xbf16>
    %slice3A_42 = vector.extract_strided_slice %convert_element_type3A_27 {offsets = [0, 5], sizes = [3200, 1], strides = [1, 1]} : vector<3200x16xbf16> to vector<3200x1xbf16>
    %mul3A_43 = vector.broadcast %slice3A_42 : vector<3200x1xbf16> to vector<3200x128xbf16>
    %mul3A_44 = arith.mulf %mul3A_43, %convert_element_type3A_23 : vector<3200x128xbf16>
    %slice3A_45 = vector.extract_strided_slice %convert_element_type3A_27 {offsets = [0, 6], sizes = [3200, 1], strides = [1, 1]} : vector<3200x16xbf16> to vector<3200x1xbf16>
    %mul3A_46 = vector.broadcast %slice3A_45 : vector<3200x1xbf16> to vector<3200x128xbf16>
    %mul3A_47 = arith.mulf %mul3A_46, %convert_element_type3A_23 : vector<3200x128xbf16>
    %concatenate3A = tpu.concatenate %mul3A_29, %mul3A_32, %mul3A_35, %mul3A_38, %mul3A_41, %mul3A_44, %mul3A_47 in 1 : vector<3200x128xbf16>, vector<3200x128xbf16>, vector<3200x128xbf16>, vector<3200x128xbf16>, vector<3200x128xbf16>, vector<3200x128xbf16>, vector<3200x128xbf16> -> vector<3200x896xbf16>
    %get3A_48 = arith.constant 0 : index
    %get3A_49 = arith.constant 0 : index
    %get3A_50 = vector.load %arg5[%get3A_48, %get3A_49] : memref<896x128xbf16, #tpu.memory_space<vmem>>, vector<896x128xbf16>
    %dot_general3A_51 = arith.constant dense<0.000000e+00> : vector<3200x128xf32>
    %dot_general3A_52 = tpu.matmul %concatenate3A, %get3A_50, %dot_general3A_51 {dimension_numbers = #tpu.dot_dimension_numbers<[1], [0], [0], [1], [0, 0, 1, 1], [], []>, transpose_lhs_hint = false} : vector<3200x896xbf16>, vector<896x128xbf16>, vector<3200x128xf32> -> vector<3200x128xf32>
    %get3A_53 = arith.constant 0 : index
    %get3A_54 = arith.constant 0 : index
    %get3A_55 = vector.load %arg6[%get3A_53, %get3A_54] : memref<16x128xf32, #tpu.memory_space<vmem>>, vector<16x128xf32>
    %dot_general3A_56 = arith.constant dense<0.000000e+00> : vector<3200x128xf32>
    %dot_general3A_57 = tpu.matmul %get3A_26, %get3A_55, %dot_general3A_56 {dimension_numbers = #tpu.dot_dimension_numbers<[1], [0], [0], [1], [0, 0, 1, 1], [], []>, transpose_lhs_hint = false} : vector<3200x16xf32>, vector<16x128xf32>, vector<3200x128xf32> -> vector<3200x128xf32>
    %add3A_58 = arith.addf %dot_general3A_52, %dot_general3A_57 : vector<3200x128xf32>
    %swap3A = arith.constant 0 : index
    %swap3A_59 = arith.constant 0 : index
    %swap3A_60 = vector.load %arg7[%swap3A, %swap3A_59] : memref<3200x128xf32, #tpu.memory_space<vmem>>, vector<3200x128xf32>
    tpu.vector_store %arg7[%swap3A, %swap3A_59], %add3A_58 {strides = array<i32>} : memref<3200x128xf32, #tpu.memory_space<vmem>>, vector<3200x128xf32>,
    return
  }
  func.func @transform_0(%arg0: i32) -> (i32, i32) {
    %c0_i32 = arith.constant 0 : i32
    %c0_i32_0 = arith.constant 0 : i32
    return %c0_i32, %arg0 : i32, i32
  }
  func.func @transform_1(%arg0: i32) -> (i32, i32) {
    %c0_i32 = arith.constant 0 : i32
    %c0_i32_0 = arith.constant 0 : i32
    return %arg0, %c0_i32 : i32, i32
  }
  func.func @transform_2(%arg0: i32) -> (i32, i32) {
    %c0_i32 = arith.constant 0 : i32
    %c0_i32_0 = arith.constant 0 : i32
    %c0_i32_1 = arith.constant 0 : i32
    return %c0_i32, %c0_i32_0 : i32, i32
  }
  func.func @transform_3(%arg0: i32) -> (i32, i32) {
    %c0_i32 = arith.constant 0 : i32
    %c0_i32_0 = arith.constant 0 : i32
    %c0_i32_1 = arith.constant 0 : i32
    return %c0_i32, %c0_i32_0 : i32, i32
  }
  func.func @transform_4(%arg0: i32) -> (i32, i32) {
    %c0_i32 = arith.constant 0 : i32
    %c0_i32_0 = arith.constant 0 : i32
    %c0_i32_1 = arith.constant 0 : i32
    return %c0_i32, %c0_i32_0 : i32, i32
  }
  func.func @transform_5(%arg0: i32) -> (i32, i32) {
    %c0_i32 = arith.constant 0 : i32
    %c0_i32_0 = arith.constant 0 : i32
    %c0_i32_1 = arith.constant 0 : i32
    return %c0_i32, %c0_i32_0 : i32, i32
  }
  func.func @transform_6(%arg0: i32) -> (i32, i32) {
    %c0_i32 = arith.constant 0 : i32
    %c0_i32_0 = arith.constant 0 : i32
    return %arg0, %c0_i32 : i32, i32
  }
}

module attributes {stable_mosaic.version = 14 : i64} {
  func.func @_final_kernel(%arg0: i32, %arg1: memref<2x2000x128xf32, #tpu.memory_space<vmem>>, %arg2: memref<2x2000x16xf32, #tpu.memory_space<vmem>>, %arg3: memref<2000x16xf32, #tpu.memory_space<vmem>>, %arg4: memref<16x128xf32, #tpu.memory_space<vmem>>, %arg5: memref<1x128xf32, #tpu.memory_space<vmem>>, %arg6: memref<2000x128xf32, #tpu.memory_space<vmem>>) attributes {dimension_semantics = [#tpu.dimension_semantics<arbitrary>], iteration_bounds = array<i64: 5>, scalar_prefetch = 0 : i64, scratch_operands = 0 : i64, tpu.core_type = #tpu.core_type<tc>, window_params = [{transform_indices = @transform_0, window_bounds = array<i64: 2, 2000, 128>}, {transform_indices = @transform_1, window_bounds = array<i64: 2, 2000, 16>}, {transform_indices = @transform_2, window_bounds = array<i64: 2000, 16>}, {pipeline_mode = #tpu.pipeline_mode<synchronous>, transform_indices = @transform_3, window_bounds = array<i64: 16, 128>}, {pipeline_mode = #tpu.pipeline_mode<synchronous>, transform_indices = @transform_4, window_bounds = array<i64: 1, 128>}, {transform_indices = @transform_5, window_bounds = array<i64: 2000, 128>}]} {
    %get3A = arith.constant 0 : index
    %get3A_0 = arith.constant 0 : index
    %get3A_1 = arith.constant 0 : index
    %get3A_2 = vector.load %arg1[%get3A, %get3A_0, %get3A_1] : memref<2x2000x128xf32, #tpu.memory_space<vmem>>, vector<1x2000x128xf32>
    %get3A_3 = vector.shape_cast %get3A_2 : vector<1x2000x128xf32> to vector<2000x128xf32>
    %get3A_4 = arith.constant 1 : index
    %get3A_5 = arith.constant 0 : index
    %get3A_6 = arith.constant 0 : index
    %get3A_7 = vector.load %arg1[%get3A_4, %get3A_5, %get3A_6] : memref<2x2000x128xf32, #tpu.memory_space<vmem>>, vector<1x2000x128xf32>
    %get3A_8 = vector.shape_cast %get3A_7 : vector<1x2000x128xf32> to vector<2000x128xf32>
    %add3A = arith.addf %get3A_3, %get3A_8 : vector<2000x128xf32>
    %get3A_9 = arith.constant 0 : index
    %get3A_10 = arith.constant 0 : index
    %get3A_11 = arith.constant 0 : index
    %get3A_12 = vector.load %arg2[%get3A_9, %get3A_10, %get3A_11] : memref<2x2000x16xf32, #tpu.memory_space<vmem>>, vector<1x2000x1xf32>
    %get3A_13 = vector.shape_cast %get3A_12 : vector<1x2000x1xf32> to vector<2000x1xf32>
    %get3A_14 = arith.constant 1 : index
    %get3A_15 = arith.constant 0 : index
    %get3A_16 = arith.constant 0 : index
    %get3A_17 = vector.load %arg2[%get3A_14, %get3A_15, %get3A_16] : memref<2x2000x16xf32, #tpu.memory_space<vmem>>, vector<1x2000x1xf32>
    %get3A_18 = vector.shape_cast %get3A_17 : vector<1x2000x1xf32> to vector<2000x1xf32>
    %add3A_19 = arith.addf %get3A_13, %get3A_18 : vector<2000x1xf32>
    %max3A = arith.constant 1.000000e+00 : f32
    %max3A_20 = vector.broadcast %max3A : f32 to vector<2000x1xf32>
    %max3A_21 = arith.maximumf %add3A_19, %max3A_20 : vector<2000x1xf32>
    %get3A_22 = arith.constant 0 : index
    %get3A_23 = arith.constant 0 : index
    %get3A_24 = vector.load %arg3[%get3A_22, %get3A_23] : memref<2000x16xf32, #tpu.memory_space<vmem>>, vector<2000x16xf32>
    %get3A_25 = arith.constant 0 : index
    %get3A_26 = arith.constant 0 : index
    %get3A_27 = vector.load %arg4[%get3A_25, %get3A_26] : memref<16x128xf32, #tpu.memory_space<vmem>>, vector<16x128xf32>
    %dot_general3A = arith.constant dense<0.000000e+00> : vector<2000x128xf32>
    %dot_general3A_28 = tpu.matmul %get3A_24, %get3A_27, %dot_general3A {dimension_numbers = #tpu.dot_dimension_numbers<[1], [0], [0], [1], [0, 0, 1, 1], [], []>, transpose_lhs_hint = false} : vector<2000x16xf32>, vector<16x128xf32>, vector<2000x128xf32> -> vector<2000x128xf32>
    %div3A = vector.broadcast %max3A_21 : vector<2000x1xf32> to vector<2000x128xf32>
    %div3A_29 = arith.divf %add3A, %div3A : vector<2000x128xf32>
    %add3A_30 = arith.addf %div3A_29, %dot_general3A_28 : vector<2000x128xf32>
    %get3A_31 = arith.constant 0 : index
    %get3A_32 = arith.constant 0 : index
    %get3A_33 = vector.load %arg5[%get3A_31, %get3A_32] : memref<1x128xf32, #tpu.memory_space<vmem>>, vector<1x128xf32>
    %add3A_34 = vector.broadcast %get3A_33 : vector<1x128xf32> to vector<2000x128xf32>
    %add3A_35 = arith.addf %add3A_30, %add3A_34 : vector<2000x128xf32>
    %swap3A = arith.constant 0 : index
    %swap3A_36 = arith.constant 0 : index
    %swap3A_37 = vector.load %arg6[%swap3A, %swap3A_36] : memref<2000x128xf32, #tpu.memory_space<vmem>>, vector<2000x128xf32>
    tpu.vector_store %arg6[%swap3A, %swap3A_36], %add3A_35 {strides = array<i32>} : memref<2000x128xf32, #tpu.memory_space<vmem>>, vector<2000x128xf32>,
    return
  }
  func.func @transform_0(%arg0: i32) -> (i32, i32, i32) {
    %c0_i32 = arith.constant 0 : i32
    %c0_i32_0 = arith.constant 0 : i32
    %c0_i32_1 = arith.constant 0 : i32
    return %c0_i32, %arg0, %c0_i32_0 : i32, i32, i32
  }
  func.func @transform_1(%arg0: i32) -> (i32, i32, i32) {
    %c0_i32 = arith.constant 0 : i32
    %c0_i32_0 = arith.constant 0 : i32
    %c0_i32_1 = arith.constant 0 : i32
    return %c0_i32, %arg0, %c0_i32_0 : i32, i32, i32
  }
  func.func @transform_2(%arg0: i32) -> (i32, i32) {
    %c0_i32 = arith.constant 0 : i32
    %c0_i32_0 = arith.constant 0 : i32
    return %arg0, %c0_i32 : i32, i32
  }
  func.func @transform_3(%arg0: i32) -> (i32, i32) {
    %c0_i32 = arith.constant 0 : i32
    %c0_i32_0 = arith.constant 0 : i32
    %c0_i32_1 = arith.constant 0 : i32
    return %c0_i32, %c0_i32_0 : i32, i32
  }
  func.func @transform_4(%arg0: i32) -> (i32, i32) {
    %c0_i32 = arith.constant 0 : i32
    %c0_i32_0 = arith.constant 0 : i32
    %c0_i32_1 = arith.constant 0 : i32
    return %c0_i32, %c0_i32_0 : i32, i32
  }
  func.func @transform_5(%arg0: i32) -> (i32, i32) {
    %c0_i32 = arith.constant 0 : i32
    %c0_i32_0 = arith.constant 0 : i32
    return %arg0, %c0_i32 : i32, i32
  }
}

</mosaic_0001>

<sc_bundles>
// kernel: kernel.6.cloned.1.call-start
scs
__scs_entry_jumppad:
0x0: {  	(pc) =	sbr.rel $0x88, $3  }
0x1: {  	(tag) =	ssettag $0x0;
	lr =	simm.s32 $0x1  }
0x2: {  	[smem:$0x3F98] =	sst lr;
	_ =	strace $0xD0000000  }
0x3: {  	_ = 	snop  }
0x4: {  	_ = 	snop  }
0x5: {  	_ = 	snop  }
0x6: {  	_ = 	snop  }
0x7: {  	_ = 	snop  }
__scs_overlays_trampoline_lowered:
0x8: {  	[smem:$0x3FA7] =	sst s0  }
0x9: {  	[smem:$0x3FA8] =	sst s1  }
0xa: {  	[smem:$0x3FA9] =	sst s2  }
0xb: {  	[smem:$0x3FAA] =	sst s3  }
0xc: {  	[smem:$0x3FAB] =	sst s4  }
0xd: {  	[smem:$0x3FAC] =	sst s5  }
0xe: {  	[smem:$0x3FAD] =	sst s6  }
0xf: {  	[smem:$0x3FAE] =	sst s7  }
0x10: {  	[smem:$0x3FAF] =	sst s8  }
0x11: {  	[smem:$0x3FB0] =	sst s9;
	s0 =	simm.s32 @!p0 $0x0  }
0x12: {  	s1 =	sld [smem:$0x3F96];
	s0 =	simm.s32 @p0 $0x1  }
0x13: {  	[smem:$0x3FB1] =	sst s0;
	s0 =	simm.s32 @!p1 $0x0  }
0x14: {  	s2 =	sld [smem:$0x3F95];
	s0 =	simm.s32 @p1 $0x1  }
0x15: {  	[smem:$0x3FB2] =	sst s0;
	s0 =	simm.s32 @!p2 $0x0  }
0x16: {  	s3 =	sld [smem:$0x3FDB];
	s0 =	simm.s32 @p2 $0x1  }
0x17: {  	s4 =	simm.s32 $0x1BF5;
	[smem:$0x3FB4] =	sst s0  }
0x18: {  	s0 =	sld [smem:$0x3F97];
	_ =	swait.ge [sflag:s4], $0x0  }
0x19: {  	s7 =	sld [smem:$0x3F98]  }
0x1a: {  	s8 =	sadd.s32 $0xFFFFE003, lr  }
0x1b: {  	s9 =	sadd.s32 $0xFFFFFEF7, lr;
	s5 =	simm.s32 $0xFFFFFFFF;
	p2 =	slt.u32 s8, $0xFFFFF086  }
0x1c: {  	p1 =	slt.u32 s9, $0xF7A;
	s5 =	simm.s32 @!p2 $0x0  }
0x1d: {  	s5 =	simm.s32 @p1 $0x1;
	p0 =	seq.s32 s7, s2  }
0x1e: {  	s7 =	smul.u32 @!p0 $0xF7A, s2;
	p2 =	seq.s32 @!p0 s5, $0x0  }
0x1f: {  	s9 =	smul.u32 $0xF7A, s1;
	s8 =	simm.s32 @!p0 $0x1BF5;
	p2 =	por !p2, p0  }
0x20: {  	[sflag:s8] =	ssyncset.s32 @!p0 $0xFFFFF086;
	s6 =	sadd.s32 @!p0 s3, s7;
	s7 =	simm.s32 @!p0 $0x108  }
0x21: {  	s3 =	sadd.s32 s3, s9;
	s6 =	sadd.s32 @!p0 $0x88, s6;
	s7 =	simm.s32 @p2 $0x1082  }
0x22: {  	[simem:s7], [sflag:s8] =	dma.local @!p0 [hbm:s6], $0xF7A  }
0x23: {  	s9 =	sor.u32 $0xD0000000, s2;
	s6 =	simm.s32 $0x108;
	_ =	swait.ge @!p0 [sflag:s8], $0x0  }
0x24: {  	s3 =	sadd.s32 $0x88, s3;
	s6 =	simm.s32 @!p1 $0x1082;
	[sflag:s4] =	ssyncset.s32 $0xFFFFF086  }
0x25: {  	[simem:s6], [sflag:s4] =	dma.local [hbm:s3], $0xF7A  }
0x26: {  	[smem:$0x3F98] =	sst s1;
	(tag) =	ssettag s2;
	_ =	strace s9  }
0x27: {  	s1 =	sld [smem:$0x3FA8]  }
0x28: {  	s2 =	sld [smem:$0x3FA9]  }
0x29: {  	s4 =	sld [smem:$0x3FAB]  }
0x2a: {  	p0 =	seq.s32 s5, $0x0;
	s5 =	sld [smem:$0x3FAC]  }
0x2b: {  	s6 =	sld [smem:$0x3FAD]  }
0x2c: {  	s7 =	sld [smem:$0x3FAE]  }
0x2d: {  	s3 =	simm.s32 $0x108;
	s8 =	sld [smem:$0x3FAF]  }
0x2e: {  	s3 =	simm.s32 @!p0 $0x1082;
	s9 =	sld [smem:$0x3FB0]  }
0x2f: {  	lr =	sadd.s32 s0, s3;
	s0 =	sld [smem:$0x3FA7]  }
0x30: {  	s3 =	sld [smem:$0x3FAA]  }
0x31: {  	[smem:$0x3FB3] =	sst s10  }
0x32: {  	s10 =	sld [smem:$0x3FB1];
	_ =	sdelay $0x3  }
0x33: {  	p0 =	seq.s32 s10, $0x1;
	s10 =	sld [smem:$0x3FB3];
	_ =	sdelay $0x3  }
0x34: {  	[smem:$0x3FB3] =	sst s10  }
0x35: {  	s10 =	sld [smem:$0x3FB2];
	_ =	sdelay $0x3  }
0x36: {  	p1 =	seq.s32 s10, $0x1;
	s10 =	sld [smem:$0x3FB3];
	_ =	sdelay $0x3  }
0x37: {  	[smem:$0x3FB3] =	sst s10  }
0x38: {  	s10 =	sld [smem:$0x3FB4]  }
0x39: {  	_ = 	snop;
	(pc) =	sbr.ind lr, $3  }
0x3a: {  	_ = 	snop  }
0x3b: {  	_ = 	snop  }
0x3c: {  	p2 =	seq.s32 s10, $0x1;
	s10 =	sld [smem:$0x3FB3]  }
0x3d: {  	_ =	shalt  }
0x3e: {  	_ =	shalt  }
0x3f: {  	_ =	shalt  }
0x40: {  	_ =	shalt  }
0x41: {  	_ =	shalt  }
0x42: {  	_ =	shalt  }
0x43: {  	_ =	shalt  }
0x44: {  	_ =	shalt  }
0x45: {  	_ =	shalt  }
0x46: {  	_ =	shalt  }
0x47: {  	_ =	shalt  }
0x48: {  	_ =	shalt  }
0x49: {  	_ =	shalt  }
0x4a: {  	_ =	shalt  }
0x4b: {  	_ =	shalt  }
0x4c: {  	_ =	shalt  }
0x4d: {  	_ =	shalt  }
0x4e: {  	_ =	shalt  }
0x4f: {  	_ =	shalt  }
0x50: {  	_ =	shalt  }
0x51: {  	_ =	shalt  }
0x52: {  	_ =	shalt  }
0x53: {  	_ =	shalt  }
0x54: {  	_ =	shalt  }
0x55: {  	_ =	shalt  }
0x56: {  	_ =	shalt  }
0x57: {  	_ =	shalt  }
0x58: {  	_ =	shalt  }
0x59: {  	_ =	shalt  }
0x5a: {  	_ =	shalt  }
0x5b: {  	_ =	shalt  }
0x5c: {  	_ =	shalt  }
0x5d: {  	_ =	shalt  }
0x5e: {  	_ =	shalt  }
0x5f: {  	_ =	shalt  }
0x60: {  	_ =	shalt  }
0x61: {  	_ =	shalt  }
0x62: {  	_ =	shalt  }
0x63: {  	_ =	shalt  }
0x64: {  	_ =	shalt  }
0x65: {  	_ =	shalt  }
0x66: {  	_ =	shalt  }
0x67: {  	_ =	shalt  }
0x68: {  	_ =	shalt  }
0x69: {  	_ =	shalt  }
0x6a: {  	_ =	shalt  }
0x6b: {  	_ =	shalt  }
0x6c: {  	_ =	shalt  }
0x6d: {  	_ =	shalt  }
0x6e: {  	_ =	shalt  }
0x6f: {  	_ =	shalt  }
0x70: {  	_ =	shalt  }
0x71: {  	_ =	shalt  }
0x72: {  	_ =	shalt  }
0x73: {  	_ =	shalt  }
0x74: {  	_ =	shalt  }
0x75: {  	_ =	shalt  }
0x76: {  	_ =	shalt  }
0x77: {  	_ =	shalt  }
0x78: {  	_ =	shalt  }
0x79: {  	_ =	shalt  }
0x7a: {  	_ =	shalt  }
0x7b: {  	_ =	shalt  }
0x7c: {  	_ =	shalt  }
0x7d: {  	_ =	shalt  }
0x7e: {  	_ =	shalt  }
0x7f: {  	_ =	shalt  }
0x80: {  	_ =	shalt  }
0x81: {  	_ =	shalt  }
0x82: {  	_ =	shalt  }
0x83: {  	_ =	shalt  }
0x84: {  	_ =	shalt  }
0x85: {  	_ =	shalt  }
0x86: {  	_ =	shalt  }
0x87: {  	_ =	shalt  }
.Lfunc_end0:
.L_simem_size_0:
called_computation_lowered:
.L_overlay_start_0:
0x88: {  	s2 =	sld [smem:$0x3FD9]  }
0x89: {  	s3 =	sld [smem:$0x3FFE];
	_ =	sdelay $0x1  }
0x8a: {  	s1 =	srdreg.scid  }
0x8b: {  	s0 =	sand.u32 $0x1, s1  }
0x8c: {  	s16 =	sshll.u32 s0, $0xA;
	s2 =	sadd.s32 s3, s2  }
0x8d: {  	s2 =	sadd.s32 s2, s16  }
0x8e: {  	[smem:$0x3FBF] =	sst s2  }
0x8f: {  	_ = 	snop  }
0x90: {  	(tm) =	ssettm $0x1  }
0x91: {  	s17 =	sld [smem:$0x3FFB];
	_ =	sdelay $0x3  }
0x92: {  	_ =	strace s17  }
0x93: {  	s2 =	sld [smem:$0x3FFC];
	_ =	sdelay $0x3  }
0x94: {  	_ =	strace s2  }
0x95: {  	s2 =	sld [smem:$0x3FFD];
	_ =	sdelay $0x3  }
0x96: {  	_ =	strace s2  }
0x97: {  	_ =	strace $0x8FFFFFFF  }
0x98: {  	s18 =	sld [smem:$0x3FDB];
	_ =	sdelay $0x1  }
0x99: {  	s19 =	simm.s32 $_scs_section_size  }
0x9a: {  	s4 =	simm.s32 $_size__tile_overlayer_lowered;
	s5 =	simm.s32 $_tile_overlayer_lowered  }
0x9b: {  	s22 =	simm.s32 $0x1BFF;
	s21 =	sshll.u32 s5, $0x1;
	s2 =	sadd.s32 s19, s18  }
0x9c: {  	s6 =	simm.s32 $0x0;
	s20 =	sshll.u32 s4, $0x1;
	s4 =	sadd.s32 s21, s2  }
0x9d: {  	[timem:s6], [sflag:s22] =	dma.local [hbm:s4], s20  }
0x9e: {  	_ =	swait.ge [sflag:s22], s20  }
0x9f: {  	s3 =	ssub.s32 $0x0, s20;
	[sflag:s22] =	ssyncset.done $0x0  }
0xa0: {  	[sflag:s22] =	ssyncadd.s32 s3;
	_ =	sdelay $0x1  }
0xa1: {  	s23 =	simm.s32 $0x1B8B  }
0xa2: {  	_ =	swait.ge [sflag:s23], $0x1  }
0xa3: {  	[sflag:s23] =	ssyncset.done $0x0  }
0xa4: {  	s25 =	simm.s32 $0x1B8E;
	s24 =	sld [smem:$0x3FFE];
	[sflag:s23] =	ssyncadd.s32 $0xFFFFFFFF  }
0xa5: {  	s26 =	simm.s32 $execute0_lowered;
	[smem:$0x3FD2] =	sst s25  }
0xa6: {  	s4 =	sshll.u32 s26, $0x1;
	_ =	strace $0x80000046;
	[dreg:$0x1] =	wrdreg $0xFFFFFFFF  }
0xa7: {  	s28 =	simm.s32 $_size_execute0_lowered;
	s2 =	sadd.s32 s2, s4;
	[dreg:$0x0] =	wrdreg $0x0  }
0xa8: {  	s4 =	sshll.u32 s28, $0x1;
	[dreg:$0x2] =	wrdreg s2  }
0xa9: {  	[dreg:$0x3] =	wrdreg s4  }
0xaa: {  	[dreg:$0x4] =	wrdreg $0xC0  }
0xab: {  	_ =	task [dreg:s6], $0x5FFFF  }
0xac: {  	[dreg:$0x1] =	wrdreg $0xFFFFFFFF  }
0xad: {  	[dreg:$0x0] =	wrdreg $0x60  }
0xae: {  	[dreg:$0x2] =	wrdreg s24  }
0xaf: {  	[dreg:$0x3] =	wrdreg $0x178000  }
0xb0: {  	[dreg:$0x4] =	wrdreg $0x19F100  }
0xb1: {  	[dreg:$0x5] =	wrdreg $0x9  }
0xb2: {  	_ =	task.clear_ibuf [dreg:s6], $0x6FFFF;
	_ =	strace $0x90000046  }
0xb3: {  	s29 =	simm.s32 $0x9;
	_ =	strace $0x80000048  }
0xb4: {  	_ =	swait.ge [sflag:s29], $0x1  }
0xb5: {  	[sflag:s29] =	ssyncadd.s32 $0xFFFFFFFF  }
0xb6: {  	_ =	strace $0x90000048  }
0xb7: {  	_ =	sfence  }
0xb8: {  	s30 =	sld [smem:$0x0];
	_ =	sdelay $0x2  }
0xb9: {  	s31 =	sshll.u32 s1, $0xD;
	s1 =	sshrl.u32 s1, $0x2  }
0xba: {  	s3 =	sand.u32 $0x4000, s31;
	s1 =	sadd.s32 s1, s30  }
0xbb: {  	s0 =	sor.u32 s3, s0;
	s1 =	sshll.u32 s1, $0x11  }
0xbc: {  	s0 =	sor.u32 s1, s0  }
0xbd: {  	s0 =	sadd.s32 $0x8F2B, s0  }
0xbe: {  	[sflag:s0] =	ssyncadd.remote.s32 $0x1  }
0xbf: {  	_ =	sfence.sel $0xFFFF  }
0xc0: {  	[dreg:$0x0] =	wrdreg $0xFFFFFFFF;
	(pc) =	sbr.abs _section_cstart, $3  }
0xc1: {  	[dreg:$0x1] =	wrdreg $0xFFFFFFFF  }
0xc2: {  	_ =	task.clear_ibuf [dreg:s6], $0x2FFFF;
	_ =	strace $0x9FFFFFFF  }
0xc3: {  	(tm) =	ssettm $0x7FFFFFFF  }
tec
execute0_lowered:
.L_overlay_start_1:
0x0: {  	(tag) =	ssettag $0x1  }
0x1: {  	s5 =	rddreg [dreg:$0x0]  }
0x2: {  	s0 =	stileid.u32;
	s2 =	rddreg [dreg:$0x1]  }
0x3: {  	s1 =	srdreg.scid;
	s3 =	rddreg [dreg:$0x2]  }
0x4: {  	s4 =	simm.s32 $0x0;
	s19 =	simm.s32 $0x1400;
	s20 =	simm.s32 $0x17000  }
0x5: {  	s21 =	simm.s32 $0x80;
	s22 =	simm.s32 $0x16800;
	s23 =	simm.s32 $0x1  }
0x6: {  	s24 =	simm.s32 $0x2800;
	s6 =	sand.u32 $0x1, s1;
	s16 =	smul.u32 $0x2710, s0  }
0x7: {  	s25 =	sshll.u32 s0, $0x1;
	s1 =	rddreg [dreg:$0x3];
	s29 =	smul.u32 $0xA000, s0  }
0x8: {  	[smem:$0x7FF] =	sst s4;
	s7 =	sor.u32 s6, s25;
	s9 =	smul.u32 $0x27100, s6  }
0x9: {  	s30 =	sshll.u32 s0, $0x6;
	_ =	strace $0x80000047;
	s8 =	smul.u32 $0x280, s7  }
0xa: {  	s6 =	ssub.s32 $0x2, s6;
	s10 =	sshrl.u32 s16, $0x3;
	s7 =	smul.u32 $0x2800, s7  }
0xb: {  	s28 =	sshrl.u32 s6, $0x1;
	s18 =	sadd.s32 s16, s2;
	s31 =	sshrl.u32 s29, $0x2  }
0xc: {  	s25 =	sadd.s32 s16, s3;
	s10 =	sadd.s32 s10, s5;
	s9 =	sadd.s32 s16, s9  }
0xd: {  	s17 =	ssub.s32 s6, s28;
	s6 =	sor.u32 $0x1C02, s30;
	s25 =	sshrl.u32 s25, $0x3  }
0xe: {  	s8 =	sadd.s32 s8, s5;
	s14 =	sadd.s32 s7, s5;
	s26 =	sshrl.u32 s9, $0x3  }
0xf: {  	s9 =	sadd.s32 s31, s3;
	s16 =	smax.u32 s17, $0x1;
	s17 =	sshrl.u32 s18, $0x3  }
0x10: {  	s18 =	simm.s32 $0x2;
	s15 =	sadd.s32 s26, s5;
	s5 =	sadd.s32 $0x2600, s10  }
0x11: {  	s7 =	sadd.s32 $0xC600, s8;
	s8 =	sadd.s32 $0x7600, s8;
	s10 =	sadd.s32 $0x800, s9  }
0x12: {  	s11 =	sadd.s32 $0x1000, s9;
	s12 =	sadd.s32 $0x1800, s9;
	s13 =	sadd.s32 $0x2000, s9  }
0x13: {  	v0 =	vimm.f32 $1.000000000e+00;
	v1 =	vimm.f32 $0.0e+00;
	s14 =	sadd.s32 $0x11600, s14;
	s26 =	simm.s32 $0x0;
	s15 =	sadd.s32 $0x61600, s15  }
.LBB2_1:
0x14: {  	[spmem:s17], [sflag:s6] =	dma.local [hbm:s5], $0x4E2  }
0x15: {  	_ =	swait.ge [sflag:s18], $0x4E2  }
0x16: {  	[sflag:s18] =	ssyncset.done $0x0  }
0x17: {  	[sflag:s18] =	ssyncadd.s32 $0xFFFFFB1E  }
0x18: {  	[tilespmem:s4], [sflag:$0x2] =	stream.linear.gather [hbm4b:s7+s4], $0x1400, $0x38;
	[tilespmem:$0x1C710] =	vst v63  }
0x19: {  	_ =	swait.ge [sflag:s18], $0x1400  }
0x1a: {  	[sflag:s18] =	ssyncset.done $0x0  }
0x1b: {  	[sflag:s18] =	ssyncadd.s32 $0xFFFFEC00  }
0x1c: {  	[tilespmem:s19], [sflag:$0x2] =	stream.linear.gather [hbm4b:s8+s4], $0x1400, $0x38;
	[tilespmem:$0x1C710] =	vst v63  }
0x1d: {  	_ =	swait.ge [sflag:s18], $0x1400  }
0x1e: {  	[sflag:s18] =	ssyncset.done $0x0  }
0x1f: {  	s28 =	simm.s32 $0x40;
	s29 =	simm.s32 $0x0;
	[sflag:s18] =	ssyncadd.s32 $0xFFFFEC00  }
.LBB2_2:
0x20: {  	p0 =	sne.s32 s28, $0x1FC0;
	[tilespmem:s29+$0x16800] =	vst v0;
	s30 =	smov.u32 s28;
	s28 =	sadd.s32 $0x40, s28  }
.Ltmp0:
0x21: {  	[tilespmem:s29+$0x17000] =	vst v1;
	(pc) =	sbr.rel @p0 .LBB2_2-.Ltmp0, $2  }
0x22: {  	_ =	sdelay $0x2  }
0x23: {  	s29 =	sshra.s32 s30, $0x2  }
0x24: {  	[tilespmem:s29+$0x16800] =	vst v0  }
0x25: {  	[tilespmem:s29+$0x17000] =	vst v1  }
0x26: {  	[spmem:s9] =	stream.linear.scatter [tilespmem:s20], [sflag:$0x2], $0x800, $0x38;
	[tilespmem:$0x1C710] =	vst v63  }
0x27: {  	_ =	swait.ge [sflag:s18], $0x800  }
0x28: {  	[sflag:s18] =	ssyncset.done $0x0  }
0x29: {  	[sflag:s18] =	ssyncadd.s32 $0xFFFFF800  }
0x2a: {  	[spmem:s10] =	stream.linear.scatter [tilespmem:s20], [sflag:$0x2], $0x800, $0x38;
	[tilespmem:$0x1C710] =	vst v63  }
0x2b: {  	_ =	swait.ge [sflag:s18], $0x800  }
0x2c: {  	[sflag:s18] =	ssyncset.done $0x0  }
0x2d: {  	[sflag:s18] =	ssyncadd.s32 $0xFFFFF800  }
0x2e: {  	[spmem:s11] =	stream.linear.scatter [tilespmem:s20], [sflag:$0x2], $0x800, $0x38;
	[tilespmem:$0x1C710] =	vst v63  }
0x2f: {  	_ =	swait.ge [sflag:s18], $0x800  }
0x30: {  	[sflag:s18] =	ssyncset.done $0x0  }
0x31: {  	[sflag:s18] =	ssyncadd.s32 $0xFFFFF800  }
0x32: {  	[spmem:s12] =	stream.linear.scatter [tilespmem:s20], [sflag:$0x2], $0x800, $0x38;
	[tilespmem:$0x1C710] =	vst v63  }
0x33: {  	_ =	swait.ge [sflag:s18], $0x800  }
0x34: {  	[sflag:s18] =	ssyncset.done $0x0  }
0x35: {  	[sflag:s18] =	ssyncadd.s32 $0xFFFFF800  }
0x36: {  	[spmem:s13] =	stream.linear.scatter [tilespmem:s20], [sflag:$0x2], $0x800, $0x38;
	[tilespmem:$0x1C710] =	vst v63  }
0x37: {  	_ =	swait.ge [sflag:s18], $0x800  }
0x38: {  	[sflag:s18] =	ssyncset.done $0x0  }
0x39: {  	s28 =	simm.s32 $0x2800;
	s29 =	simm.s32 $0x200;
	[sflag:s18] =	ssyncadd.s32 $0xFFFFF800  }
0x3a: {  	s31 =	simm.s32 $0x0;
	s30 =	simm.s32 $0x3000;
	[bflag:$0x0] =	sbarrier.arrive $0xFFFF  }
.LBB2_4:
0x3b: {  	[tilespmem:s28], [sflag:$0x1] =	stream.indirect.gather [spmem:s2], $0x10, s31, s21, $0xb8;
	[tilespmem:$0x1C710] =	vst v63  }
0x3c: {  	s31 =	smov.u32 s29;
	s28 =	smov.u32 s30;
	p0 =	sne.s32 s29, $0x4E00  }
.Ltmp1:
0x3d: {  	s29 =	sadd.s32 $0x200, s29;
	(pc) =	sbr.rel @p0 .LBB2_4-.Ltmp1, $2  }
0x3e: {  	_ =	sdelay $0x2  }
0x3f: {  	s30 =	sadd.s32 $0x800, s30;
	s31 =	sshra.s32 s31, $0x2  }
0x40: {  	[tilespmem:s28], [sflag:$0x1] =	stream.indirect.gather [spmem:s2], $0x10, s31, s21, $0xb8;
	[tilespmem:$0x1C710] =	vst v63  }
0x41: {  	s28 =	simm.s32 $0x1400  }
0x42: {  	[spmem:s3] =	stream.indirect.scatter.add.f32 [tilespmem:s22], [sflag:$0x2], $0x10, s28, s21, $0xb8;
	[tilespmem:$0x1C710] =	vst v63  }
0x43: {  	s28 =	simm.s32 $0x200;
	_ =	swait.ge [sflag:s18], $0x800  }
.LBB2_6:
0x44: {  	s29 =	sshra.s32 s28, $0x2;
	[sflag:s18] =	ssyncset.done $0x0;
	p0 =	sne.s32 s28, $0x4E00  }
.Ltmp2:
0x45: {  	s29 =	sadd.s32 $0x1400, s29;
	[sflag:s18] =	ssyncadd.s32 $0xFFFFF800;
	(pc) =	sbr.rel @p0 .LBB2_6-.Ltmp2, $3  }
0x46: {  	[spmem:s3] =	stream.indirect.scatter.add.f32 [tilespmem:s22], [sflag:$0x2], $0x10, s29, s21, $0xb8;
	[tilespmem:$0x1C710] =	vst v63  }
0x47: {  	s28 =	sadd.s32 $0x200, s28;
	_ =	sdelay $0x1  }
0x48: {  	_ =	swait.ge [sflag:s18], $0x800  }
0x49: {  	[sflag:s18] =	ssyncset.done $0x0  }
0x4a: {  	[sflag:s18] =	ssyncadd.s32 $0xFFFFF800  }
0x4b: {  	_ =	swait.ge [sflag:s23], $0x14000  }
0x4c: {  	[sflag:s23] =	ssyncset.done $0x0  }
0x4d: {  	[sflag:s23] =	ssyncadd.s32 $0xFFFEC000  }
0x4e: {  	[hbm4b:s14+s4] =	stream.linear.scatter [tilespmem:s24], [sflag:$0x2], $0x14000, $0x38;
	[tilespmem:$0x1C710] =	vst v63  }
0x4f: {  	_ =	swait.ge [sflag:s18], $0x14000  }
0x50: {  	s26 =	sadd.s32 $0x1, s26;
	[sflag:s18] =	ssyncset.done $0x0  }
0x51: {  	p0 =	sne.s32 s26, s16;
	[sflag:s18] =	ssyncadd.s32 $0xFFFEC000  }
.Ltmp3:
0x52: {  	[bflag:$0x0] =	sbarrier.arrive $0xFFFF;
	(pc) =	sbr.rel @p0 .LBB2_1-.Ltmp3, $4  }
0x53: {  	[hbm:s15], [sflag:s6] =	dma.local [spmem:s25], $0x4E2  }
0x54: {  	_ =	swait.ge [sflag:s18], $0x4E2  }
0x55: {  	[sflag:s18] =	ssyncset.done $0x0  }
0x56: {  	[sflag:s18] =	ssyncadd.s32 $0xFFFFFB1E  }
0x57: {  	_ =	sfence.sel $0x180000  }
0x58: {  	[bflag:$0x0] =	sbarrier.arrive $0xFFFF  }
0x59: {  	p0 =	sne.s32 s0, $0x0;
	_ =	strace $0x90000047  }
0x5a: {  	s0 =	sadd.s32 @!p0 $0x100000, s1;
	[bflag:$0x2] =	sbarrier.arrive $0xFFFF  }
0x5b: {  	[sflag:s0] =	ssyncadd.tile.s32 @!p0 $0x1;
	_ =	shalt  }
.Lfunc_end2:
_tile_overlayer_lowered:
.L_overlay_start_2:
0x5c: {  	(tag) =	ssettag $0x2  }
0x5d: {  	s0 =	rddreg [dreg:$0x0];
	s2 =	stileid.u32  }
0x5e: {  	s1 =	rddreg [dreg:$0x1];
	p0 =	sne.s32 s2, $0x0  }
0x5f: {  	s3 =	rddreg [dreg:$0x2];
	[bflag:$0x3] =	sbarrier.arrive $0xFFFF;
	s2 =	simm.s32 @!p0 $0x1C02  }
0x60: {  	[timem:s3], [sflag:s2] =	dma.local @!p0 [hbm:s0], s1  }
0x61: {  	s0 =	simm.s32 @!p0 $0x2  }
0x62: {  	_ =	swait.ge @!p0 [sflag:s0], s1  }
0x63: {  	s1 =	ssub.s32 @!p0 $0x0, s1;
	[sflag:s0] =	ssyncset.done @!p0 $0x0  }
0x64: {  	[sflag:s0] =	ssyncadd.s32 @!p0 s1  }
0x65: {  	[bflag:$0x3] =	sbarrier.arrive $0xFFFF  }
0x66: {  	_ =	shalt  }

// kernel: kernel.9.cloned.1.call-start
scs
__scs_entry_jumppad:
0x0: {  	(pc) =	sbr.rel $0x88, $3  }
0x1: {  	(tag) =	ssettag $0x0;
	lr =	simm.s32 $0x1  }
0x2: {  	[smem:$0x3F98] =	sst lr;
	_ =	strace $0xD0000000  }
0x3: {  	_ = 	snop  }
0x4: {  	_ = 	snop  }
0x5: {  	_ = 	snop  }
0x6: {  	_ = 	snop  }
0x7: {  	_ = 	snop  }
__scs_overlays_trampoline_lowered:
0x8: {  	[smem:$0x3FA7] =	sst s0  }
0x9: {  	[smem:$0x3FA8] =	sst s1  }
0xa: {  	[smem:$0x3FA9] =	sst s2  }
0xb: {  	[smem:$0x3FAA] =	sst s3  }
0xc: {  	[smem:$0x3FAB] =	sst s4  }
0xd: {  	[smem:$0x3FAC] =	sst s5  }
0xe: {  	[smem:$0x3FAD] =	sst s6  }
0xf: {  	[smem:$0x3FAE] =	sst s7  }
0x10: {  	[smem:$0x3FAF] =	sst s8  }
0x11: {  	[smem:$0x3FB0] =	sst s9;
	s0 =	simm.s32 @!p0 $0x0  }
0x12: {  	s1 =	sld [smem:$0x3F96];
	s0 =	simm.s32 @p0 $0x1  }
0x13: {  	[smem:$0x3FB1] =	sst s0;
	s0 =	simm.s32 @!p1 $0x0  }
0x14: {  	s2 =	sld [smem:$0x3F95];
	s0 =	simm.s32 @p1 $0x1  }
0x15: {  	[smem:$0x3FB2] =	sst s0;
	s0 =	simm.s32 @!p2 $0x0  }
0x16: {  	s3 =	sld [smem:$0x3FDB];
	s0 =	simm.s32 @p2 $0x1  }
0x17: {  	s4 =	simm.s32 $0x1BF5;
	[smem:$0x3FB4] =	sst s0  }
0x18: {  	s0 =	sld [smem:$0x3F97];
	_ =	swait.ge [sflag:s4], $0x0  }
0x19: {  	s7 =	sld [smem:$0x3F98]  }
0x1a: {  	s8 =	sadd.s32 $0xFFFFE003, lr  }
0x1b: {  	s9 =	sadd.s32 $0xFFFFFEF7, lr;
	s5 =	simm.s32 $0xFFFFFFFF;
	p2 =	slt.u32 s8, $0xFFFFF086  }
0x1c: {  	p1 =	slt.u32 s9, $0xF7A;
	s5 =	simm.s32 @!p2 $0x0  }
0x1d: {  	s5 =	simm.s32 @p1 $0x1;
	p0 =	seq.s32 s7, s2  }
0x1e: {  	s7 =	smul.u32 @!p0 $0xF7A, s2;
	p2 =	seq.s32 @!p0 s5, $0x0  }
0x1f: {  	s9 =	smul.u32 $0xF7A, s1;
	s8 =	simm.s32 @!p0 $0x1BF5;
	p2 =	por !p2, p0  }
0x20: {  	[sflag:s8] =	ssyncset.s32 @!p0 $0xFFFFF086;
	s6 =	sadd.s32 @!p0 s3, s7;
	s7 =	simm.s32 @!p0 $0x108  }
0x21: {  	s3 =	sadd.s32 s3, s9;
	s6 =	sadd.s32 @!p0 $0x88, s6;
	s7 =	simm.s32 @p2 $0x1082  }
0x22: {  	[simem:s7], [sflag:s8] =	dma.local @!p0 [hbm:s6], $0xF7A  }
0x23: {  	s9 =	sor.u32 $0xD0000000, s2;
	s6 =	simm.s32 $0x108;
	_ =	swait.ge @!p0 [sflag:s8], $0x0  }
0x24: {  	s3 =	sadd.s32 $0x88, s3;
	s6 =	simm.s32 @!p1 $0x1082;
	[sflag:s4] =	ssyncset.s32 $0xFFFFF086  }
0x25: {  	[simem:s6], [sflag:s4] =	dma.local [hbm:s3], $0xF7A  }
0x26: {  	[smem:$0x3F98] =	sst s1;
	(tag) =	ssettag s2;
	_ =	strace s9  }
0x27: {  	s1 =	sld [smem:$0x3FA8]  }
0x28: {  	s2 =	sld [smem:$0x3FA9]  }
0x29: {  	s4 =	sld [smem:$0x3FAB]  }
0x2a: {  	p0 =	seq.s32 s5, $0x0;
	s5 =	sld [smem:$0x3FAC]  }
0x2b: {  	s6 =	sld [smem:$0x3FAD]  }
0x2c: {  	s7 =	sld [smem:$0x3FAE]  }
0x2d: {  	s3 =	simm.s32 $0x108;
	s8 =	sld [smem:$0x3FAF]  }
0x2e: {  	s3 =	simm.s32 @!p0 $0x1082;
	s9 =	sld [smem:$0x3FB0]  }
0x2f: {  	lr =	sadd.s32 s0, s3;
	s0 =	sld [smem:$0x3FA7]  }
0x30: {  	s3 =	sld [smem:$0x3FAA]  }
0x31: {  	[smem:$0x3FB3] =	sst s10  }
0x32: {  	s10 =	sld [smem:$0x3FB1];
	_ =	sdelay $0x3  }
0x33: {  	p0 =	seq.s32 s10, $0x1;
	s10 =	sld [smem:$0x3FB3];
	_ =	sdelay $0x3  }
0x34: {  	[smem:$0x3FB3] =	sst s10  }
0x35: {  	s10 =	sld [smem:$0x3FB2];
	_ =	sdelay $0x3  }
0x36: {  	p1 =	seq.s32 s10, $0x1;
	s10 =	sld [smem:$0x3FB3];
	_ =	sdelay $0x3  }
0x37: {  	[smem:$0x3FB3] =	sst s10  }
0x38: {  	s10 =	sld [smem:$0x3FB4]  }
0x39: {  	_ = 	snop;
	(pc) =	sbr.ind lr, $3  }
0x3a: {  	_ = 	snop  }
0x3b: {  	_ = 	snop  }
0x3c: {  	p2 =	seq.s32 s10, $0x1;
	s10 =	sld [smem:$0x3FB3]  }
0x3d: {  	_ =	shalt  }
0x3e: {  	_ =	shalt  }
0x3f: {  	_ =	shalt  }
0x40: {  	_ =	shalt  }
0x41: {  	_ =	shalt  }
0x42: {  	_ =	shalt  }
0x43: {  	_ =	shalt  }
0x44: {  	_ =	shalt  }
0x45: {  	_ =	shalt  }
0x46: {  	_ =	shalt  }
0x47: {  	_ =	shalt  }
0x48: {  	_ =	shalt  }
0x49: {  	_ =	shalt  }
0x4a: {  	_ =	shalt  }
0x4b: {  	_ =	shalt  }
0x4c: {  	_ =	shalt  }
0x4d: {  	_ =	shalt  }
0x4e: {  	_ =	shalt  }
0x4f: {  	_ =	shalt  }
0x50: {  	_ =	shalt  }
0x51: {  	_ =	shalt  }
0x52: {  	_ =	shalt  }
0x53: {  	_ =	shalt  }
0x54: {  	_ =	shalt  }
0x55: {  	_ =	shalt  }
0x56: {  	_ =	shalt  }
0x57: {  	_ =	shalt  }
0x58: {  	_ =	shalt  }
0x59: {  	_ =	shalt  }
0x5a: {  	_ =	shalt  }
0x5b: {  	_ =	shalt  }
0x5c: {  	_ =	shalt  }
0x5d: {  	_ =	shalt  }
0x5e: {  	_ =	shalt  }
0x5f: {  	_ =	shalt  }
0x60: {  	_ =	shalt  }
0x61: {  	_ =	shalt  }
0x62: {  	_ =	shalt  }
0x63: {  	_ =	shalt  }
0x64: {  	_ =	shalt  }
0x65: {  	_ =	shalt  }
0x66: {  	_ =	shalt  }
0x67: {  	_ =	shalt  }
0x68: {  	_ =	shalt  }
0x69: {  	_ =	shalt  }
0x6a: {  	_ =	shalt  }
0x6b: {  	_ =	shalt  }
0x6c: {  	_ =	shalt  }
0x6d: {  	_ =	shalt  }
0x6e: {  	_ =	shalt  }
0x6f: {  	_ =	shalt  }
0x70: {  	_ =	shalt  }
0x71: {  	_ =	shalt  }
0x72: {  	_ =	shalt  }
0x73: {  	_ =	shalt  }
0x74: {  	_ =	shalt  }
0x75: {  	_ =	shalt  }
0x76: {  	_ =	shalt  }
0x77: {  	_ =	shalt  }
0x78: {  	_ =	shalt  }
0x79: {  	_ =	shalt  }
0x7a: {  	_ =	shalt  }
0x7b: {  	_ =	shalt  }
0x7c: {  	_ =	shalt  }
0x7d: {  	_ =	shalt  }
0x7e: {  	_ =	shalt  }
0x7f: {  	_ =	shalt  }
0x80: {  	_ =	shalt  }
0x81: {  	_ =	shalt  }
0x82: {  	_ =	shalt  }
0x83: {  	_ =	shalt  }
0x84: {  	_ =	shalt  }
0x85: {  	_ =	shalt  }
0x86: {  	_ =	shalt  }
0x87: {  	_ =	shalt  }
.Lfunc_end0:
.L_simem_size_0:
called_computation.1_lowered:
.L_overlay_start_0:
0x88: {  	s2 =	sld [smem:$0x3FD9]  }
0x89: {  	s3 =	sld [smem:$0x3FFE];
	_ =	sdelay $0x1  }
0x8a: {  	s1 =	srdreg.scid  }
0x8b: {  	s0 =	sand.u32 $0x1, s1  }
0x8c: {  	s16 =	sshll.u32 s0, $0xA;
	s2 =	sadd.s32 s3, s2  }
0x8d: {  	s2 =	sadd.s32 s2, s16  }
0x8e: {  	[smem:$0x3FBF] =	sst s2  }
0x8f: {  	_ = 	snop  }
0x90: {  	(tm) =	ssettm $0x1  }
0x91: {  	s17 =	sld [smem:$0x3FFB];
	_ =	sdelay $0x3  }
0x92: {  	_ =	strace s17  }
0x93: {  	s2 =	sld [smem:$0x3FFC];
	_ =	sdelay $0x3  }
0x94: {  	_ =	strace s2  }
0x95: {  	s2 =	sld [smem:$0x3FFD];
	_ =	sdelay $0x3  }
0x96: {  	_ =	strace s2  }
0x97: {  	_ =	strace $0x8FFFFFFF  }
0x98: {  	s18 =	sld [smem:$0x3FDB];
	_ =	sdelay $0x1  }
0x99: {  	s19 =	simm.s32 $_scs_section_size  }
0x9a: {  	s4 =	simm.s32 $_size__tile_overlayer_lowered;
	s5 =	simm.s32 $_tile_overlayer_lowered  }
0x9b: {  	s22 =	simm.s32 $0x1BFF;
	s21 =	sshll.u32 s5, $0x1;
	s2 =	sadd.s32 s19, s18  }
0x9c: {  	s6 =	simm.s32 $0x0;
	s20 =	sshll.u32 s4, $0x1;
	s4 =	sadd.s32 s21, s2  }
0x9d: {  	[timem:s6], [sflag:s22] =	dma.local [hbm:s4], s20  }
0x9e: {  	_ =	swait.ge [sflag:s22], s20  }
0x9f: {  	s3 =	ssub.s32 $0x0, s20;
	[sflag:s22] =	ssyncset.done $0x0  }
0xa0: {  	[sflag:s22] =	ssyncadd.s32 s3;
	_ =	sdelay $0x1  }
0xa1: {  	s23 =	simm.s32 $0x1B8B  }
0xa2: {  	_ =	swait.ge [sflag:s23], $0x1  }
0xa3: {  	[sflag:s23] =	ssyncset.done $0x0  }
0xa4: {  	s25 =	simm.s32 $0x1B8E;
	s24 =	sld [smem:$0x3FFE];
	[sflag:s23] =	ssyncadd.s32 $0xFFFFFFFF  }
0xa5: {  	s26 =	simm.s32 $execute0_lowered;
	[smem:$0x3FD2] =	sst s25  }
0xa6: {  	s4 =	sshll.u32 s26, $0x1;
	_ =	strace $0x80000049;
	[dreg:$0x1] =	wrdreg $0xFFFFFFFF  }
0xa7: {  	s28 =	simm.s32 $_size_execute0_lowered;
	s2 =	sadd.s32 s2, s4;
	[dreg:$0x0] =	wrdreg $0x0  }
0xa8: {  	s4 =	sshll.u32 s28, $0x1;
	[dreg:$0x2] =	wrdreg s2  }
0xa9: {  	[dreg:$0x3] =	wrdreg s4  }
0xaa: {  	[dreg:$0x4] =	wrdreg $0xC0  }
0xab: {  	_ =	task [dreg:s6], $0x5FFFF  }
0xac: {  	[dreg:$0x1] =	wrdreg $0xFFFFFFFF  }
0xad: {  	[dreg:$0x0] =	wrdreg $0x60  }
0xae: {  	[dreg:$0x2] =	wrdreg s24  }
0xaf: {  	[dreg:$0x3] =	wrdreg $0x94000  }
0xb0: {  	[dreg:$0x4] =	wrdreg $0x9  }
0xb1: {  	_ =	task.clear_ibuf [dreg:s6], $0x5FFFF;
	_ =	strace $0x90000049  }
0xb2: {  	s29 =	simm.s32 $0x9;
	_ =	strace $0x8000004B  }
0xb3: {  	_ =	swait.ge [sflag:s29], $0x1  }
0xb4: {  	[sflag:s29] =	ssyncadd.s32 $0xFFFFFFFF  }
0xb5: {  	_ =	strace $0x9000004B  }
0xb6: {  	_ =	sfence  }
0xb7: {  	s30 =	sld [smem:$0x0];
	_ =	sdelay $0x2  }
0xb8: {  	s31 =	sshll.u32 s1, $0xD;
	s1 =	sshrl.u32 s1, $0x2  }
0xb9: {  	s3 =	sand.u32 $0x4000, s31;
	s1 =	sadd.s32 s1, s30  }
0xba: {  	s0 =	sor.u32 s3, s0;
	s1 =	sshll.u32 s1, $0x11  }
0xbb: {  	s0 =	sor.u32 s1, s0  }
0xbc: {  	s0 =	sadd.s32 $0x8F2B, s0  }
0xbd: {  	[sflag:s0] =	ssyncadd.remote.s32 $0x1  }
0xbe: {  	_ =	sfence.sel $0xFFFF  }
0xbf: {  	[dreg:$0x0] =	wrdreg $0xFFFFFFFF;
	(pc) =	sbr.abs _section_cstart, $3  }
0xc0: {  	[dreg:$0x1] =	wrdreg $0xFFFFFFFF  }
0xc1: {  	_ =	task.clear_ibuf [dreg:s6], $0x2FFFF;
	_ =	strace $0x9FFFFFFF  }
0xc2: {  	(tm) =	ssettm $0x7FFFFFFF  }
0xc3: {  	_ =	shalt  }
tec
execute0_lowered:
.L_overlay_start_1:
0x0: {  	(tag) =	ssettag $0x1  }
0x1: {  	s0 =	srdreg.scid  }
0x2: {  	s12 =	stileid.u32;
	s4 =	rddreg [dreg:$0x0]  }
0x3: {  	s2 =	rddreg [dreg:$0x1];
	s3 =	simm.s32 $0x0;
	s28 =	simm.s32 $0x5  }
0x4: {  	s30 =	simm.s32 $0x5400;
	s31 =	simm.s32 $0x7400;
	s7 =	smul.u32 $0x13880, s12  }
0x5: {  	s0 =	sand.u32 $0x1, s0;
	s1 =	sshll.u32 s12, $0x1;
	s8 =	smul.u32 $0x50000, s12  }
0x6: {  	s29 =	simm.s32 $0x3;
	s1 =	sor.u32 s0, s1;
	s6 =	smul.u32 $0x138800, s0  }
0x7: {  	[smem:$0x7FF] =	sst s3;
	s9 =	sadd.s32 $0x2EB400, s4;
	s5 =	smul.u32 $0x1400, s1  }
0x8: {  	s21 =	smul.u32 $0x2800, s12;
	_ =	strace $0x8000004A;
	s6 =	sadd.s32 s7, s6  }
0x9: {  	s8 =	sshrl.u32 s8, $0x2;
	s5 =	sshrl.u32 s5, $0x3;
	s6 =	sshrl.u32 s6, $0x3  }
0xa: {  	s5 =	sadd.s32 s5, s4;
	s6 =	sadd.s32 s6, s4;
	s4 =	sadd.s32 s8, s2  }
0xb: {  	s10 =	ssub.s32 $0x2, s0;
	s0 =	smul.u32 $0x1400, s0;
	s15 =	sadd.s32 $0x2000, s4  }
0xc: {  	s11 =	sshrl.u32 s10, $0x1;
	s16 =	sadd.s32 $0x4000, s4;
	[dreg:$0x3] =	wrdreg s15  }
0xd: {  	s1 =	smul.u32 $0x14000, s1;
	s17 =	sadd.s32 $0x6000, s4;
	[dreg:$0x4] =	wrdreg s16  }
0xe: {  	s26 =	sadd.s32 s7, s2;
	s18 =	sadd.s32 $0x8000, s4;
	[dreg:$0x5] =	wrdreg s17  }
0xf: {  	s14 =	ssub.s32 s10, s11;
	s19 =	sadd.s32 $0xA000, s4;
	[dreg:$0x6] =	wrdreg s18  }
0x10: {  	s0 =	sadd.s32 s0, s21;
	s20 =	sadd.s32 $0xC000, s4;
	[dreg:$0x7] =	wrdreg s19  }
0x11: {  	s0 =	sshll.u32 s0, $0x4;
	s22 =	sadd.s32 $0xE000, s4;
	[dreg:$0x8] =	wrdreg s20  }
0x12: {  	s0 =	sadd.s32 s0, s9;
	s23 =	sadd.s32 $0x10000, s4;
	[dreg:$0x9] =	wrdreg s22  }
0x13: {  	s24 =	sadd.s32 $0x12000, s4;
	s5 =	sadd.s32 $0x7600, s5;
	[dreg:$0xa] =	wrdreg s23  }
0x14: {  	s11 =	sadd.s32 $0x1C00, s0;
	s10 =	sadd.s32 $0x1800, s0;
	[dreg:$0xb] =	wrdreg s24  }
0x15: {  	s8 =	sadd.s32 $0x1000, s0;
	[dreg:$0xc] =	wrdreg s5;
	s15 =	sadd.s32 s9, s1  }
.Ltmp0:
0x16: {  	s19 =	sadd.s32 $0xC600, s6;
	s20 =	smax.u32 s14, $0x1;
	(pc) =	sbr.rel .LBB2_1-.Ltmp0, $4  }
0x17: {  	s9 =	sadd.s32 $0x1400, s0;
	s0 =	simm.s32 $0x40;
	s1 =	sadd.s32 $0x400, s15  }
0x18: {  	s5 =	simm.s32 $0x4;
	s25 =	sadd.s32 $0x800, s15;
	[dreg:$0xd] =	wrdreg s1  }
0x19: {  	s6 =	simm.s32 $0x0;
	s18 =	sadd.s32 $0xC00, s15;
	[dreg:$0xe] =	wrdreg s25  }
0x1a: {  	v0 =	vimm.f32 $0.0e+00;
	s25 =	sshrl.u32 s26, $0x3;
	s26 =	simm.s32 $0x1400;
	s1 =	simm.s32 $0x1  }
.LBB2_6:
0x1b: {  	_ =	swait.ge [sflag:s5], $0x2000  }
0x1c: {  	[sflag:s5] =	ssyncset.done $0x0  }
0x1d: {  	[sflag:s5] =	ssyncadd.s32 $0xFFFFE000  }
0x1e: {  	[spmem:s2] =	stream.indirect.scatter.add.f32 [tilespmem:s31], [sflag:$0x5], $0x80, s12, s0, $0xb8;
	[tilespmem:$0x1D400] =	vst v63  }
0x1f: {  	_ =	swait.ge [sflag:s28], $0x2000  }
0x20: {  	s7 =	stileid.u32;
	s6 =	sadd.s32 $0x1, s6;
	[sflag:s28] =	ssyncset.done $0x0  }
0x21: {  	s7 =	sshll.u32 s7, $0x6;
	p0 =	sne.s32 s6, s20;
	[sflag:s28] =	ssyncadd.s32 $0xFFFFE000  }
.Ltmp1:
0x22: {  	s7 =	sor.u32 $0x1C05, s7;
	[bflag:$0x0] =	sbarrier.arrive $0xFFFF;
	(pc) =	sbr.rel @!p0 .LBB2_7-.Ltmp1, $4  }
0x23: {  	[hbm:s19], [sflag:s7] =	dma.local [spmem:s25], $0x2710  }
0x24: {  	_ =	swait.ge [sflag:s28], $0x2710  }
0x25: {  	[sflag:s28] =	ssyncset.done $0x0  }
0x26: {  	[sflag:s28] =	ssyncadd.s32 $0xFFFFD8F0  }
.LBB2_1:
0x27: {  	s7 =	simm.s32 $0x0;
	s21 =	simm.s32 $0x200  }
.LBB2_2:
0x28: {  	p0 =	sne.s32 s21, $0x7E00;
	[tilespmem:s7+$0x1470] =	vst v0  }
0x29: {  	[tilespmem:s7+$0x1400] =	vst v0  }
0x2a: {  	[tilespmem:s7+$0x1410] =	vst v0  }
.Ltmp2:
0x2b: {  	[tilespmem:s7+$0x1420] =	vst v0;
	(pc) =	sbr.rel @p0 .LBB2_2-.Ltmp2, $4  }
0x2c: {  	[tilespmem:s7+$0x1430] =	vst v0  }
0x2d: {  	[tilespmem:s7+$0x1440] =	vst v0  }
0x2e: {  	[tilespmem:s7+$0x1450] =	vst v0  }
0x2f: {  	[tilespmem:s7+$0x1460] =	vst v0;
	s7 =	sshra.s32 s21, $0x2;
	s21 =	sadd.s32 $0x200, s21  }
0x30: {  	[tilespmem:s7+$0x1470] =	vst v0  }
0x31: {  	[tilespmem:s7+$0x1400] =	vst v0  }
0x32: {  	[tilespmem:s7+$0x1410] =	vst v0  }
0x33: {  	[tilespmem:s7+$0x1420] =	vst v0  }
0x34: {  	[tilespmem:s7+$0x1430] =	vst v0  }
0x35: {  	[tilespmem:s7+$0x1440] =	vst v0  }
0x36: {  	[tilespmem:s7+$0x1450] =	vst v0  }
0x37: {  	[tilespmem:s7+$0x1460] =	vst v0  }
0x38: {  	[spmem:s4] =	stream.linear.scatter [tilespmem:s26], [sflag:$0x5], $0x2000, $0x38;
	[tilespmem:$0x1D400] =	vst v63  }
0x39: {  	_ =	swait.ge [sflag:s28], $0x2000  }
0x3a: {  	[sflag:s28] =	ssyncset.done $0x0  }
0x3b: {  	s23 =	rddreg [dreg:$0x3];
	[sflag:s28] =	ssyncadd.s32 $0xFFFFE000  }
0x3c: {  	[spmem:s23] =	stream.linear.scatter [tilespmem:s26], [sflag:$0x5], $0x2000, $0x38;
	[tilespmem:$0x1D400] =	vst v63  }
0x3d: {  	_ =	swait.ge [sflag:s28], $0x2000  }
0x3e: {  	[sflag:s28] =	ssyncset.done $0x0  }
0x3f: {  	s24 =	rddreg [dreg:$0x4];
	[sflag:s28] =	ssyncadd.s32 $0xFFFFE000  }
0x40: {  	[spmem:s24] =	stream.linear.scatter [tilespmem:s26], [sflag:$0x5], $0x2000, $0x38;
	[tilespmem:$0x1D400] =	vst v63  }
0x41: {  	_ =	swait.ge [sflag:s28], $0x2000  }
0x42: {  	[sflag:s28] =	ssyncset.done $0x0  }
0x43: {  	s12 =	rddreg [dreg:$0x5];
	[sflag:s28] =	ssyncadd.s32 $0xFFFFE000  }
0x44: {  	[spmem:s12] =	stream.linear.scatter [tilespmem:s26], [sflag:$0x5], $0x2000, $0x38;
	[tilespmem:$0x1D400] =	vst v63  }
0x45: {  	_ =	swait.ge [sflag:s28], $0x2000  }
0x46: {  	[sflag:s28] =	ssyncset.done $0x0  }
0x47: {  	s13 =	rddreg [dreg:$0x6];
	[sflag:s28] =	ssyncadd.s32 $0xFFFFE000  }
0x48: {  	[spmem:s13] =	stream.linear.scatter [tilespmem:s26], [sflag:$0x5], $0x2000, $0x38;
	[tilespmem:$0x1D400] =	vst v63  }
0x49: {  	_ =	swait.ge [sflag:s28], $0x2000  }
0x4a: {  	[sflag:s28] =	ssyncset.done $0x0  }
0x4b: {  	s14 =	rddreg [dreg:$0x7];
	[sflag:s28] =	ssyncadd.s32 $0xFFFFE000  }
0x4c: {  	[spmem:s14] =	stream.linear.scatter [tilespmem:s26], [sflag:$0x5], $0x2000, $0x38;
	[tilespmem:$0x1D400] =	vst v63  }
0x4d: {  	_ =	swait.ge [sflag:s28], $0x2000  }
0x4e: {  	[sflag:s28] =	ssyncset.done $0x0  }
0x4f: {  	s16 =	rddreg [dreg:$0x8];
	[sflag:s28] =	ssyncadd.s32 $0xFFFFE000  }
0x50: {  	[spmem:s16] =	stream.linear.scatter [tilespmem:s26], [sflag:$0x5], $0x2000, $0x38;
	[tilespmem:$0x1D400] =	vst v63  }
0x51: {  	_ =	swait.ge [sflag:s28], $0x2000  }
0x52: {  	[sflag:s28] =	ssyncset.done $0x0  }
0x53: {  	s17 =	rddreg [dreg:$0x9];
	[sflag:s28] =	ssyncadd.s32 $0xFFFFE000  }
0x54: {  	[spmem:s17] =	stream.linear.scatter [tilespmem:s26], [sflag:$0x5], $0x2000, $0x38;
	[tilespmem:$0x1D400] =	vst v63  }
0x55: {  	_ =	swait.ge [sflag:s28], $0x2000  }
0x56: {  	[sflag:s28] =	ssyncset.done $0x0  }
0x57: {  	s21 =	rddreg [dreg:$0xa];
	[sflag:s28] =	ssyncadd.s32 $0xFFFFE000  }
0x58: {  	[spmem:s21] =	stream.linear.scatter [tilespmem:s26], [sflag:$0x5], $0x2000, $0x38;
	[tilespmem:$0x1D400] =	vst v63  }
0x59: {  	_ =	swait.ge [sflag:s28], $0x2000  }
0x5a: {  	[sflag:s28] =	ssyncset.done $0x0  }
0x5b: {  	s22 =	rddreg [dreg:$0xb];
	[sflag:s28] =	ssyncadd.s32 $0xFFFFE000  }
0x5c: {  	[spmem:s22] =	stream.linear.scatter [tilespmem:s26], [sflag:$0x5], $0x2000, $0x38;
	[tilespmem:$0x1D400] =	vst v63  }
0x5d: {  	_ =	swait.ge [sflag:s28], $0x2000  }
0x5e: {  	[sflag:s28] =	ssyncset.done $0x0  }
0x5f: {  	[sflag:s28] =	ssyncadd.s32 $0xFFFFE000  }
0x60: {  	[bflag:$0x0] =	sbarrier.arrive $0xFFFF  }
0x61: {  	s7 =	simm.s32 $0x0;
	s12 =	rddreg [dreg:$0xc]  }
0x62: {  	[tilespmem:s7], [sflag:$0x5] =	stream.linear.gather [hbm4b:s12+s7], $0x1400, $0x38;
	[tilespmem:$0x1D400] =	vst v63  }
0x63: {  	_ =	swait.ge [sflag:s28], $0x1400  }
0x64: {  	[sflag:s28] =	ssyncset.done $0x0  }
0x65: {  	[sflag:s28] =	ssyncadd.s32 $0xFFFFEC00  }
0x66: {  	[tilespmem:s26], [sflag:$0x1] =	stream.linear.gather [hbm4b:s15+s7], $0x2000, $0x38;
	[tilespmem:$0x1D400] =	vst v63  }
0x67: {  	s13 =	simm.s32 $0x3400;
	s23 =	rddreg [dreg:$0xd]  }
0x68: {  	[tilespmem:s13], [sflag:$0x2] =	stream.linear.gather [hbm4b:s23+s7], $0x2000, $0x38;
	[tilespmem:$0x1D400] =	vst v63  }
0x69: {  	s21 =	smov.u32 s11;
	s24 =	rddreg [dreg:$0xe]  }
0x6a: {  	[tilespmem:s30], [sflag:$0x3] =	stream.linear.gather [hbm4b:s24+s7], $0x2000, $0x38;
	[tilespmem:$0x1D400] =	vst v63  }
0x6b: {  	s22 =	smov.u32 s10;
	s23 =	smov.u32 s9;
	s24 =	smov.u32 s8  }
0x6c: {  	[tilespmem:s31], [sflag:$0x4] =	stream.linear.gather [hbm4b:s18+s7], $0x2000, $0x38;
	[tilespmem:$0x1D400] =	vst v63  }
.LBB2_4:
0x6d: {  	_ =	swait.ge [sflag:s1], $0x2000  }
0x6e: {  	[sflag:s1] =	ssyncset.done $0x0  }
0x6f: {  	s12 =	sshra.s32 s7, $0x2;
	[sflag:s1] =	ssyncadd.s32 $0xFFFFE000  }
0x70: {  	[spmem:s2] =	stream.indirect.scatter.add.f32 [tilespmem:s26], [sflag:$0x5], $0x80, s12, s0, $0xb8;
	[tilespmem:$0x1D400] =	vst v63  }
0x71: {  	_ =	swait.ge [sflag:s28], $0x2000  }
0x72: {  	p0 =	seq.s32 s7, $0x4C00;
	[sflag:s28] =	ssyncset.done $0x0  }
0x73: {  	s13 =	simm.s32 @p0 $0x2;
	[sflag:s28] =	ssyncadd.s32 $0xFFFFE000  }
0x74: {  	_ =	swait.ge @p0 [sflag:s13], $0x2000  }
0x75: {  	[sflag:s13] =	ssyncset.done @p0 $0x0  }
0x76: {  	[sflag:s13] =	ssyncadd.s32 @p0 $0xFFFFE000;
	s13 =	sshra.s32 @p0 s7, $0x2  }
0x77: {  	s14 =	simm.s32 @p0 $0x40;
	s16 =	simm.s32 @p0 $0x3400;
	s13 =	sadd.s32 @p0 $0x40, s13  }
0x78: {  	[spmem:s2] =	stream.indirect.scatter.add.f32 @p0 [tilespmem:s16], [sflag:$0x5], $0x80, s13, s14, $0xb8;
	[tilespmem:$0x1D400] =	vst v63  }
0x79: {  	s13 =	simm.s32 @p0 $0x5  }
0x7a: {  	_ =	swait.ge @p0 [sflag:s13], $0x2000  }
0x7b: {  	[sflag:s13] =	ssyncset.done @p0 $0x0  }
0x7c: {  	s14 =	simm.s32 @!p0 $0x1400;
	[sflag:s13] =	ssyncadd.s32 @p0 $0xFFFFE000;
	s13 =	simm.s32 @!p0 $0x0  }
0x7d: {  	[tilespmem:s14], [sflag:$0x1] =	stream.linear.gather @!p0 [hbm4b:s24+s13], $0x2000, $0x38;
	[tilespmem:$0x1D400] =	vst v63  }
0x7e: {  	s14 =	simm.s32 @!p0 $0x2  }
0x7f: {  	_ =	swait.ge @!p0 [sflag:s14], $0x2000  }
0x80: {  	[sflag:s14] =	ssyncset.done @!p0 $0x0  }
0x81: {  	[sflag:s14] =	ssyncadd.s32 @!p0 $0xFFFFE000;
	s14 =	sshra.s32 @!p0 s7, $0x2  }
0x82: {  	s17 =	simm.s32 @!p0 $0x3400;
	s16 =	simm.s32 @!p0 $0x40;
	s14 =	sadd.s32 @!p0 $0x40, s14  }
0x83: {  	[spmem:s2] =	stream.indirect.scatter.add.f32 @!p0 [tilespmem:s17], [sflag:$0x5], $0x80, s14, s16, $0xb8;
	[tilespmem:$0x1D400] =	vst v63  }
0x84: {  	s14 =	simm.s32 @!p0 $0x5  }
0x85: {  	_ =	swait.ge @!p0 [sflag:s14], $0x2000  }
0x86: {  	[sflag:s14] =	ssyncset.done @!p0 $0x0  }
0x87: {  	[sflag:s14] =	ssyncadd.s32 @!p0 $0xFFFFE000  }
0x88: {  	[tilespmem:s17], [sflag:$0x2] =	stream.linear.gather @!p0 [hbm4b:s23+s13], $0x2000, $0x38;
	[tilespmem:$0x1D400] =	vst v63  }
0x89: {  	_ =	swait.ge [sflag:s29], $0x2000  }
0x8a: {  	[sflag:s29] =	ssyncset.done $0x0  }
.Ltmp3:
0x8b: {  	s17 =	sadd.s32 $0x80, s12;
	[sflag:s29] =	ssyncadd.s32 $0xFFFFE000;
	(pc) =	sbr.rel @p0 .LBB2_6-.Ltmp3, $4  }
0x8c: {  	[spmem:s2] =	stream.indirect.scatter.add.f32 [tilespmem:s30], [sflag:$0x5], $0x80, s17, s0, $0xb8;
	[tilespmem:$0x1D400] =	vst v63  }
0x8d: {  	_ =	swait.ge [sflag:s28], $0x2000  }
0x8e: {  	[sflag:s28] =	ssyncset.done $0x0  }
0x8f: {  	s12 =	sadd.s32 $0xC0, s12;
	[sflag:s28] =	ssyncadd.s32 $0xFFFFE000  }
0x90: {  	[tilespmem:s30], [sflag:$0x3] =	stream.linear.gather [hbm4b:s22+s3], $0x2000, $0x38;
	[tilespmem:$0x1D400] =	vst v63  }
0x91: {  	_ =	swait.ge [sflag:s5], $0x2000  }
0x92: {  	[sflag:s5] =	ssyncset.done $0x0  }
0x93: {  	[sflag:s5] =	ssyncadd.s32 $0xFFFFE000  }
0x94: {  	[spmem:s2] =	stream.indirect.scatter.add.f32 [tilespmem:s31], [sflag:$0x5], $0x80, s12, s0, $0xb8;
	[tilespmem:$0x1D400] =	vst v63  }
.Ltmp4:
0x95: {  	_ =	swait.ge [sflag:s28], $0x2000;
	(pc) =	sbr.rel .LBB2_4-.Ltmp4, $4  }
0x96: {  	[sflag:s28] =	ssyncset.done $0x0  }
0x97: {  	s7 =	sadd.s32 $0x400, s7;
	s22 =	sadd.s32 $0x1000, s22;
	[sflag:s28] =	ssyncadd.s32 $0xFFFFE000  }
0x98: {  	[tilespmem:s31], [sflag:$0x4] =	stream.linear.gather [hbm4b:s21+s3], $0x2000, $0x38;
	[tilespmem:$0x1D400] =	vst v63  }
0x99: {  	s23 =	sadd.s32 $0x1000, s23;
	s24 =	sadd.s32 $0x1000, s24;
	s21 =	sadd.s32 $0x1000, s21  }
.LBB2_7:
0x9a: {  	_ =	sfence.sel $0x180000  }
0x9b: {  	[bflag:$0x0] =	sbarrier.arrive $0xFFFF  }
0x9c: {  	_ =	strace $0x9000004A  }
0x9d: {  	s0 =	stileid.u32;
	[bflag:$0x2] =	sbarrier.arrive $0xFFFF  }
0x9e: {  	p0 =	sne.s32 s0, $0x0;
	s0 =	rddreg [dreg:$0x2]  }
0x9f: {  	s0 =	sadd.s32 @!p0 $0x100000, s0  }
0xa0: {  	[sflag:s0] =	ssyncadd.tile.s32 @!p0 $0x1;
	_ =	shalt  }
.Lfunc_end2:
_tile_overlayer_lowered:
.L_overlay_start_2:
0xa1: {  	(tag) =	ssettag $0x2  }
0xa2: {  	s0 =	rddreg [dreg:$0x0];
	s2 =	stileid.u32  }
0xa3: {  	s1 =	rddreg [dreg:$0x1];
	p0 =	sne.s32 s2, $0x0  }
0xa4: {  	s3 =	rddreg [dreg:$0x2];
	[bflag:$0x3] =	sbarrier.arrive $0xFFFF;
	s2 =	simm.s32 @!p0 $0x1C05  }
0xa5: {  	[timem:s3], [sflag:s2] =	dma.local @!p0 [hbm:s0], s1  }
0xa6: {  	s0 =	simm.s32 @!p0 $0x5  }
0xa7: {  	_ =	swait.ge @!p0 [sflag:s0], s1  }
0xa8: {  	s1 =	ssub.s32 @!p0 $0x0, s1;
	[sflag:s0] =	ssyncset.done @!p0 $0x0  }
0xa9: {  	[sflag:s0] =	ssyncadd.s32 @!p0 s1  }
0xaa: {  	[bflag:$0x3] =	sbarrier.arrive $0xFFFF  }
0xab: {  	_ =	shalt  }

</sc_bundles>
